<compile_context>
chip_gen: v7x
topology: tpu7x:2x2x1
jax: 0.10.2.dev20260603
libtpu: 0.0.44.dev20260713+nightly
codegen_flags: <defaults>
</compile_context>

<pallas_src>
import functools

import numpy as np

import jax
import jax.numpy as jnp
from jax import lax
from jax.experimental import pallas as pl
from jax.experimental.pallas import tpu as pltpu
from jax.experimental.pallas import tpu_sc as plsc


_NC = 2
_NS = 16
_B = 40


def _leaky(z):
    return jnp.maximum(z, 0.01 * z)


def _interleave_perm(nblk):
    c = np.empty(128, np.int64)
    for g in range(4):
        for i in range(16):
            c[32 * g + 2 * i] = 32 * g + i
            c[32 * g + 2 * i + 1] = 32 * g + 16 + i
    return np.concatenate([128 * e + c for e in range(nblk)])



def _mm_t_body(cast_bf16, x_ref, w_ref, o_ref):
    xv = x_ref[...]
    wv = w_ref[...]
    if cast_bf16:
        xv = xv.astype(jnp.bfloat16)
        wv = wv.astype(jnp.bfloat16)
    o_ref[...] = jax.lax.dot_general(
        xv, wv, (((1,), (1,)), ((), ())),
        preferred_element_type=jnp.float32).astype(o_ref.dtype)


def _mm_t(x, w, block_rows, cast_bf16=False, out_dtype=jnp.float32):
    n, d = x.shape
    k = w.shape[0]
    return pl.pallas_call(
        functools.partial(_mm_t_body, cast_bf16),
        grid=(n // block_rows,),
        in_specs=[
            pl.BlockSpec((block_rows, d), lambda i: (i, 0)),
            pl.BlockSpec((k, d), lambda i: (0, 0)),
        ],
        out_specs=pl.BlockSpec((block_rows, k), lambda i: (i, 0)),
        out_shape=jax.ShapeDtypeStruct((n, k), out_dtype),
    )(x, w)


def _final_body(pe_ref, p2_ref, sums_ref, cnt_ref, o_ref):
    s = sums_ref[0] + sums_ref[1]
    c = cnt_ref[0][:, :1] + cnt_ref[1][:, :1]
    inv = 1.0 / jnp.maximum(c, 1.0)
    o_ref[...] = pe_ref[...] + _leaky(p2_ref[...] + s * inv)


def _final_stage(pe, p2, sums_p, cnt_p, block_rows=1000):
    n, d = pe.shape
    return pl.pallas_call(
        _final_body,
        grid=(n // block_rows,),
        in_specs=[
            pl.BlockSpec((block_rows, d), lambda i: (i, 0)),
            pl.BlockSpec((block_rows, d), lambda i: (i, 0)),
            pl.BlockSpec((_NC, block_rows, d), lambda i: (0, i, 0)),
            pl.BlockSpec((_NC, block_rows, 16), lambda i: (0, i, 0)),
        ],
        out_specs=pl.BlockSpec((block_rows, d), lambda i: (i, 0)),
        out_shape=jax.ShapeDtypeStruct((n, d), jnp.float32),
    )(pe, p2, sums_p, cnt_p)



def _sc_edge_stage(hu, hw, ea, src, tgt, z128, z16):
    n_nodes, d = hu.shape
    n_edges = ea.shape[0]
    nw = _NC * _NS
    e_per_w = n_edges // nw
    n_blk = e_per_w // _B
    assert n_blk % 2 == 0

    mesh = plsc.VectorSubcoreMesh(core_axis_name="c", subcore_axis_name="s")

    f32 = jnp.float32
    @functools.partial(
        pl.kernel,
        out_type=[
            jax.ShapeDtypeStruct((n_edges, d), f32),
            jax.ShapeDtypeStruct((_NC, n_nodes, d), f32),
            jax.ShapeDtypeStruct((_NC, n_nodes, 16), f32),
        ],
        mesh=mesh,
        compiler_params=pltpu.CompilerParams(use_tc_tiling_on_sc=False),
        scratch_types=[
            pltpu.VMEM((_B,), jnp.int32), pltpu.VMEM((_B,), jnp.int32),
            pltpu.VMEM((_B,), jnp.int32), pltpu.VMEM((_B,), jnp.int32),
            pltpu.VMEM((_B, 128), f32), pltpu.VMEM((_B, 128), f32),
            pltpu.VMEM((_B, 128), f32), pltpu.VMEM((_B, 128), f32),
            pltpu.VMEM((_B, 128), f32), pltpu.VMEM((_B, 128), f32),
            pltpu.VMEM((_B, 16), f32),
            pltpu.VMEM_SHARED((n_nodes, 128), f32),
            pltpu.VMEM_SHARED((n_nodes, 16), f32),
        ] + [pltpu.SemaphoreType.DMA] * 10,
    )
    def k(hu_hbm, hw_hbm, ea_hbm, src_hbm, tgt_hbm, z128_hbm, z16_hbm,
          m_hbm, sums_hbm, cnt_hbm,
          idx_s0, idx_s1, idx_t0, idx_t1,
          gu0, gu1, gw0, gw1, me0, me1, ones_v,
          sh_sums, sh_cnt,
          sem_i0, sem_i1, sem_u0, sem_u1, sem_w0, sem_w1,
          sem_e0, sem_e1, sem_m0, sem_m1):
        cid = lax.axis_index("c")
        sid = lax.axis_index("s")
        wid = sid * _NC + cid
        base_w = wid * e_per_w

        idx_s = (idx_s0, idx_s1)
        idx_t = (idx_t0, idx_t1)
        gu = (gu0, gu1)
        gw = (gw0, gw1)
        me = (me0, me1)
        sem_i = (sem_i0, sem_i1)
        sem_u = (sem_u0, sem_u1)
        sem_w = (sem_w0, sem_w1)
        sem_e = (sem_e0, sem_e1)
        sem_m = (sem_m0, sem_m1)
        last = n_blk - 1

        def fire_idx(blk, p):
            off = base_w + jnp.minimum(blk, last) * _B
            pltpu.async_copy(src_hbm.at[pl.ds(off, _B)], idx_s[p], sem_i[p])
            pltpu.async_copy(tgt_hbm.at[pl.ds(off, _B)], idx_t[p], sem_i[p])

        def wait_idx(p):
            pltpu.make_async_copy(src_hbm.at[pl.ds(0, _B)], idx_s[p], sem_i[p]).wait()
            pltpu.make_async_copy(tgt_hbm.at[pl.ds(0, _B)], idx_t[p], sem_i[p]).wait()

        def fire_gathers(blk, p):
            off = base_w + jnp.minimum(blk, last) * _B
            pltpu.async_copy(hu_hbm.at[idx_s[p]], gu[p], sem_u[p])
            pltpu.async_copy(hw_hbm.at[idx_t[p]], gw[p], sem_w[p])
            pltpu.async_copy(ea_hbm.at[pl.ds(off, _B)], me[p], sem_e[p])

        def wait_gathers(p):
            pltpu.make_async_copy(hu_hbm.at[idx_s[p]], gu[p], sem_u[p]).wait()
            pltpu.make_async_copy(hw_hbm.at[idx_t[p]], gw[p], sem_w[p]).wait()
            pltpu.make_async_copy(ea_hbm.at[pl.ds(0, _B)], me[p], sem_e[p]).wait()

        def wait_mwrite(p):
            pltpu.make_async_copy(me[p], m_hbm.at[pl.ds(0, _B)], sem_m[p]).wait()

        @pl.when(sid < 10)
        def _():
            r0 = sid * 1000
            pltpu.sync_copy(z128_hbm.at[pl.ds(r0, 1000)],
                            sh_sums.at[pl.ds(r0, 1000)])
            pltpu.sync_copy(z16_hbm.at[pl.ds(r0, 1000)],
                            sh_cnt.at[pl.ds(r0, 1000)])

        one = jnp.full((16,), 1.0, f32)

        @pl.loop(0, _B)
        def _(r):
            ones_v[r, :] = one

        pltpu.sync_copy(src_hbm.at[pl.ds(base_w, _B)], idx_s[0])
        pltpu.sync_copy(tgt_hbm.at[pl.ds(base_w, _B)], idx_t[0])
        fire_gathers(0, 0)
        fire_idx(1, 1)

        plsc.subcore_barrier()

        @pl.loop(0, n_blk // 2)
        def _(h):
            for p in (0, 1):
                b = 2 * h + p
                q = 1 - p
                wait_idx(q)

                @pl.when(b >= 1)
                def _():
                    wait_mwrite(q)

                fire_gathers(b + 1, q)
                wait_gathers(p)

                @pl.loop(0, _B)
                def _(r):
                    for c in range(0, 128, 16):
                        sl = pl.ds(c, 16)
                        z = me[p][r, sl] + gu[p][r, sl] + gw[p][r, sl]
                        me[p][r, sl] = jnp.maximum(z, 0.01 * z)

                pltpu.async_copy(
                    me[p], m_hbm.at[pl.ds(base_w + b * _B, _B)], sem_m[p])
                pltpu.sync_copy(me[p], sh_sums.at[idx_t[p]], add=True)
                pltpu.sync_copy(ones_v, sh_cnt.at[idx_t[p]], add=True)
                fire_idx(b + 2, p)

        wait_idx(1)
        wait_gathers(0)
        wait_mwrite(1)

        plsc.subcore_barrier()

        @pl.when(sid == 0)
        def _():
            pltpu.sync_copy(sh_sums, sums_hbm.at[cid])
            pltpu.sync_copy(sh_cnt, cnt_hbm.at[cid])

    return k(hu, hw, ea, src, tgt, z128, z16)



def kernel(x, edge_index, edge_attr, W_e, W_hu, W_hw, W2, W_emb, W_attr):
    n_nodes, in_dim = x.shape
    n_edges = edge_attr.shape[0]
    src = edge_index[0].astype(jnp.int32)
    tgt = edge_index[1].astype(jnp.int32)

    w_cat = jnp.concatenate([W_hu, W_hw, W2, W_emb], axis=0)
    node_proj = _mm_t(x, w_cat, block_rows=1000)
    hu = node_proj[:, :128]
    hw = node_proj[:, 128:256]
    p2 = node_proj[:, 256:384]
    pe = node_proj[:, 384:]

    ea = _mm_t(edge_attr, W_e, block_rows=2000)

    z128 = jnp.zeros((n_nodes, 128), jnp.float32)
    z16 = jnp.zeros((n_nodes, 16), jnp.float32)

    m, sums_p, cnt_p = _sc_edge_stage(hu, hw, ea, src, tgt, z128, z16)

    attributes = _mm_t(m, W_attr, block_rows=2000)

    embeddings = _final_stage(pe, p2, sums_p, cnt_p)
    return (embeddings, attributes)

# --- scband reference (transcript-rebuilt; emitter-appended) ---
"""Pipeline reference for scband-gnn-layer3-34832184770736 (READ-ONLY COPY).

The authoritative reference and input builder live on the scoring server;
editing this copy changes nothing except your own understanding.
"""

import jax, jax.numpy as jnp
import numpy as np

N_NODES = 10000
N_EDGES = 320000
IN_DIM = 128
EDGE_DIM = 16
OUT_DIM = 128
EDGE_OUT_DIM = EDGE_DIM  # edge_out_dim defaults to edge_dim


def _kaiming_uniform(key, fan_out, fan_in, a=0.01):
    # kaiming_uniform_ with leaky_relu nonlinearity: gain = sqrt(2/(1+a^2)), bound = gain*sqrt(3/fan_in)
    gain = np.sqrt(2.0 / (1.0 + a * a))
    bound = gain * np.sqrt(3.0 / fan_in)
    return jax.random.uniform(key, (fan_out, fan_in), minval=-bound, maxval=bound, dtype=jnp.float32)


def setup_inputs(seed: int = 0) -> dict:
    key = jax.random.key(seed)
    ks = jax.random.split(key, 10)
    x = jax.random.normal(ks[0], (N_NODES, IN_DIM), dtype=jnp.float32)
    edge_index = jax.random.randint(ks[1], (2, N_EDGES), 0, N_NODES, dtype=jnp.int64)
    edge_attr = jax.random.normal(ks[2], (N_EDGES, EDGE_DIM), dtype=jnp.float32)
    W_e = _kaiming_uniform(ks[3], OUT_DIM, EDGE_DIM)
    W_hu = _kaiming_uniform(ks[4], OUT_DIM, IN_DIM)
    W_hw = _kaiming_uniform(ks[5], OUT_DIM, IN_DIM)
    W2 = _kaiming_uniform(ks[6], OUT_DIM, IN_DIM)
    W_emb = _kaiming_uniform(ks[7], OUT_DIM, IN_DIM)
    # lin_attr uses default nn.Linear init (kaiming_uniform with a=sqrt(5))
    bound = 1.0 / np.sqrt(OUT_DIM)
    W_attr = jax.random.uniform(ks[8], (EDGE_OUT_DIM, OUT_DIM), minval=-bound, maxval=bound, dtype=jnp.float32)
    return {"x": x, "edge_index": edge_index, "edge_attr": edge_attr,
            "W_e": W_e, "W_hu": W_hu, "W_hw": W_hw, "W2": W2,
            "W_emb": W_emb, "W_attr": W_attr}


def reference(x, edge_index, edge_attr, W_e, W_hu, W_hw, W2, W_emb, W_attr):
    src = edge_index[0]
    tgt = edge_index[1]
    # MessagePassingLayer: W_e(e) + W_hu(h[src]) + W_hw(h[tgt])
    messages = edge_attr @ W_e.T + x[src] @ W_hu.T + x[tgt] @ W_hw.T
    messages = jax.nn.leaky_relu(messages, negative_slope=0.01)
    attributes = messages
    # scatter_mean over target nodes
    sums = jax.ops.segment_sum(attributes, tgt, num_segments=N_NODES)
    counts = jax.ops.segment_sum(jnp.ones((N_EDGES,), dtype=jnp.float32), tgt, num_segments=N_NODES)
    agg_message = sums / jnp.clip(counts, 1.0)[:, None]
    attributes = attributes @ W_attr.T
    embeddings = x @ W_emb.T + jax.nn.leaky_relu(x @ W2.T + agg_message, negative_slope=0.01)
    return (embeddings, attributes)

if __name__ == "__main__":
    import jax
    _d = setup_inputs()
    print(jax.jit(kernel)(*tuple(_d.values())))

</pallas_src>

<mosaic_0001>
#map = affine_map<(d0, d1) -> (0, 0)>
#map1 = affine_map<(d0, d1) -> (0)>
#map2 = affine_map<(d0, d1) -> (0, 0, 0)>
module attributes {stable_mosaic.version = 14 : i64} {
  func.func @k(%arg0: i32, %arg1: i32, %arg2: memref<10000x128xf32, #tpu.memory_space<hbm>>, %arg3: memref<10000x128xf32, #tpu.memory_space<hbm>>, %arg4: memref<320000x128xf32, #tpu.memory_space<hbm>>, %arg5: memref<320000xi32, #tpu.memory_space<hbm>>, %arg6: memref<320000xi32, #tpu.memory_space<hbm>>, %arg7: memref<10000x128xf32, #tpu.memory_space<hbm>>, %arg8: memref<10000x16xf32, #tpu.memory_space<hbm>>, %arg9: memref<320000x128xf32, #tpu.memory_space<hbm>>, %arg10: memref<2x10000x128xf32, #tpu.memory_space<hbm>>, %arg11: memref<2x10000x16xf32, #tpu.memory_space<hbm>>, %arg12: memref<40xi32, #tpu.memory_space<vmem>>, %arg13: memref<40xi32, #tpu.memory_space<vmem>>, %arg14: memref<40xi32, #tpu.memory_space<vmem>>, %arg15: memref<40xi32, #tpu.memory_space<vmem>>, %arg16: memref<40x128xf32, #tpu.memory_space<vmem>>, %arg17: memref<40x128xf32, #tpu.memory_space<vmem>>, %arg18: memref<40x128xf32, #tpu.memory_space<vmem>>, %arg19: memref<40x128xf32, #tpu.memory_space<vmem>>, %arg20: memref<40x128xf32, #tpu.memory_space<vmem>>, %arg21: memref<40x128xf32, #tpu.memory_space<vmem>>, %arg22: memref<40x16xf32, #tpu.memory_space<vmem>>, %arg23: memref<10000x128xf32, #tpu.memory_space<vmem_shared>>, %arg24: memref<10000x16xf32, #tpu.memory_space<vmem_shared>>, %arg25: memref<!tpu.dma_semaphore, #tpu.memory_space<semaphore_mem>>, %arg26: memref<!tpu.dma_semaphore, #tpu.memory_space<semaphore_mem>>, %arg27: memref<!tpu.dma_semaphore, #tpu.memory_space<semaphore_mem>>, %arg28: memref<!tpu.dma_semaphore, #tpu.memory_space<semaphore_mem>>, %arg29: memref<!tpu.dma_semaphore, #tpu.memory_space<semaphore_mem>>, %arg30: memref<!tpu.dma_semaphore, #tpu.memory_space<semaphore_mem>>, %arg31: memref<!tpu.dma_semaphore, #tpu.memory_space<semaphore_mem>>, %arg32: memref<!tpu.dma_semaphore, #tpu.memory_space<semaphore_mem>>, %arg33: memref<!tpu.dma_semaphore, #tpu.memory_space<semaphore_mem>>, %arg34: memref<!tpu.dma_semaphore, #tpu.memory_space<semaphore_mem>>) attributes {dimension_semantics = [#tpu.dimension_semantics<core_parallel>, #tpu.dimension_semantics<subcore_parallel>], iteration_bounds = array<i64: 2, 16>, scalar_prefetch = 0 : i64, scratch_operands = 23 : i64, tpu.core_type = #tpu.core_type<sc_vector_subcore>, window_params = [{transform_indices = #map}, {transform_indices = #map}, {transform_indices = #map}, {transform_indices = #map1}, {transform_indices = #map1}, {transform_indices = #map}, {transform_indices = #map}, {transform_indices = #map}, {transform_indices = #map2}, {transform_indices = #map2}]} {
    %mul3A = arith.constant 2 : i32
    %mul3A_0 = arith.muli %arg1, %mul3A : i32
    %add3A = arith.addi %mul3A_0, %arg0 : i32
    %mul3A_1 = arith.constant 10000 : i32
    %mul3A_2 = arith.muli %add3A, %mul3A_1 : i32
    %lt3A = arith.constant 10 : i32
    %lt3A_3 = arith.cmpi slt, %arg1, %lt3A : i32
    %convert_element_type3A = arith.extui %lt3A_3 : i1 to i32
    %cond3A = arith.constant 0 : i32
    %cond3A_4 = arith.cmpi ne, %convert_element_type3A, %cond3A : i32
    scf.if %cond3A_4 {
      %mul3A_69 = arith.constant 1000 : i32
      %mul3A_70 = arith.muli %arg1, %mul3A_69 : i32
      "tpu.region"() ({
        %run_scoped3A = tpu.sem_alloc : memref<!tpu.dma_semaphore, #tpu.memory_space<semaphore_mem>>
        %dma_start3A_71 = arith.constant 0 : i32
        %dma_start3A_72 = tpu.memref_slice %arg23[%mul3A_70, %dma_start3A_71] : memref<10000x128xf32, #tpu.memory_space<vmem_shared>> -> memref<1000x128xf32, #tpu.memory_space<vmem_shared>>
        %dma_start3A_73 = arith.constant 0 : i32
        %dma_start3A_74 = tpu.memref_slice %arg7[%mul3A_70, %dma_start3A_73] : memref<10000x128xf32, #tpu.memory_space<hbm>> -> memref<1000x128xf32, #tpu.memory_space<hbm>>
        tpu.enqueue_dma source(%dma_start3A_74 : memref<1000x128xf32, #tpu.memory_space<hbm>>) target(%dma_start3A_72 : memref<1000x128xf32, #tpu.memory_space<vmem_shared>>) target_semaphore(%run_scoped3A : memref<!tpu.dma_semaphore, #tpu.memory_space<semaphore_mem>>)
        %dma_wait3A_75 = arith.constant 0 : i32
        %dma_wait3A_76 = tpu.memref_slice %arg23[%mul3A_70, %dma_wait3A_75] : memref<10000x128xf32, #tpu.memory_space<vmem_shared>> -> memref<1000x128xf32, #tpu.memory_space<vmem_shared>>
        %dma_wait3A_77 = arith.constant 0 : i32
        %dma_wait3A_78 = tpu.memref_slice %arg7[%mul3A_70, %dma_wait3A_77] : memref<10000x128xf32, #tpu.memory_space<hbm>> -> memref<1000x128xf32, #tpu.memory_space<hbm>>
        tpu.wait_dma2 semaphore(%run_scoped3A : memref<!tpu.dma_semaphore, #tpu.memory_space<semaphore_mem>>) src(%dma_wait3A_78 : memref<1000x128xf32, #tpu.memory_space<hbm>>) dst(%dma_wait3A_76 : memref<1000x128xf32, #tpu.memory_space<vmem_shared>>)
        tpu.yield
      }) : () -> ()
      "tpu.region"() ({
        %run_scoped3A = tpu.sem_alloc : memref<!tpu.dma_semaphore, #tpu.memory_space<semaphore_mem>>
        %dma_start3A_71 = arith.constant 0 : i32
        %dma_start3A_72 = tpu.memref_slice %arg24[%mul3A_70, %dma_start3A_71] : memref<10000x16xf32, #tpu.memory_space<vmem_shared>> -> memref<1000x16xf32, #tpu.memory_space<vmem_shared>>
        %dma_start3A_73 = arith.constant 0 : i32
        %dma_start3A_74 = tpu.memref_slice %arg8[%mul3A_70, %dma_start3A_73] : memref<10000x16xf32, #tpu.memory_space<hbm>> -> memref<1000x16xf32, #tpu.memory_space<hbm>>
        tpu.enqueue_dma source(%dma_start3A_74 : memref<1000x16xf32, #tpu.memory_space<hbm>>) target(%dma_start3A_72 : memref<1000x16xf32, #tpu.memory_space<vmem_shared>>) target_semaphore(%run_scoped3A : memref<!tpu.dma_semaphore, #tpu.memory_space<semaphore_mem>>)
        %dma_wait3A_75 = arith.constant 0 : i32
        %dma_wait3A_76 = tpu.memref_slice %arg24[%mul3A_70, %dma_wait3A_75] : memref<10000x16xf32, #tpu.memory_space<vmem_shared>> -> memref<1000x16xf32, #tpu.memory_space<vmem_shared>>
        %dma_wait3A_77 = arith.constant 0 : i32
        %dma_wait3A_78 = tpu.memref_slice %arg8[%mul3A_70, %dma_wait3A_77] : memref<10000x16xf32, #tpu.memory_space<hbm>> -> memref<1000x16xf32, #tpu.memory_space<hbm>>
        tpu.wait_dma2 semaphore(%run_scoped3A : memref<!tpu.dma_semaphore, #tpu.memory_space<semaphore_mem>>) src(%dma_wait3A_78 : memref<1000x16xf32, #tpu.memory_space<hbm>>) dst(%dma_wait3A_76 : memref<1000x16xf32, #tpu.memory_space<vmem_shared>>)
        tpu.yield
      }) : () -> ()
    } else {
    }
    %broadcast_in_dim3A = arith.constant 1.000000e+00 : f32
    %broadcast_in_dim3A_5 = vector.broadcast %broadcast_in_dim3A : f32 to vector<16xf32>
    %scan3A = arith.constant 0 : i32
    %scan3A_6 = arith.constant 40 : i32
    %scan3A_7 = arith.addi %scan3A, %scan3A_6 : i32
    %scan3A_8 = arith.constant 1 : i32
    scf.for %scan3A_69 = %scan3A to %scan3A_7 step %scan3A_8  : i32 {
      %mul3A_70 = arith.constant 1 : i32
      %mul3A_71 = arith.muli %scan3A_69, %mul3A_70 : i32
      %add3A_72 = arith.constant 0 : i32
      %add3A_73 = arith.addi %add3A_72, %mul3A_71 : i32
      %swap3A = arith.index_cast %add3A_73 : i32 to index
      %swap3A_74 = arith.constant 0 : index
      %swap3A_75 = tpu.vector_load %arg22[%swap3A, %swap3A_74] {strides = array<i32>} : memref<40x16xf32, #tpu.memory_space<vmem>>, vector<1x16xf32>,
      %swap3A_76 = vector.shape_cast %swap3A_75 : vector<1x16xf32> to vector<16xf32>
      %swap3A_77 = vector.shape_cast %broadcast_in_dim3A_5 : vector<16xf32> to vector<1x16xf32>
      tpu.vector_store %arg22[%swap3A, %swap3A_74], %swap3A_77 {strides = array<i32>} : memref<40x16xf32, #tpu.memory_space<vmem>>, vector<1x16xf32>,
    }
    %scan3A_9 = arith.constant 40 : i32
    "tpu.region"() ({
      %run_scoped3A = tpu.sem_alloc : memref<!tpu.dma_semaphore, #tpu.memory_space<semaphore_mem>>
      %dma_start3A_69 = tpu.memref_slice %arg5[%mul3A_2] : memref<320000xi32, #tpu.memory_space<hbm>> -> memref<40xi32, #tpu.memory_space<hbm>>
      %dma_start3A_70 = tpu.memref_slice %arg5[%mul3A_2] : memref<320000xi32, #tpu.memory_space<hbm>> -> memref<40xi32, #tpu.memory_space<hbm>>
      tpu.enqueue_dma source(%dma_start3A_70 : memref<40xi32, #tpu.memory_space<hbm>>) target(%arg12 : memref<40xi32, #tpu.memory_space<vmem>>) target_semaphore(%run_scoped3A : memref<!tpu.dma_semaphore, #tpu.memory_space<semaphore_mem>>)
      %dma_wait3A_71 = tpu.memref_slice %arg5[%mul3A_2] : memref<320000xi32, #tpu.memory_space<hbm>> -> memref<40xi32, #tpu.memory_space<hbm>>
      %dma_wait3A_72 = tpu.memref_slice %arg5[%mul3A_2] : memref<320000xi32, #tpu.memory_space<hbm>> -> memref<40xi32, #tpu.memory_space<hbm>>
      tpu.wait_dma2 semaphore(%run_scoped3A : memref<!tpu.dma_semaphore, #tpu.memory_space<semaphore_mem>>) src(%dma_wait3A_72 : memref<40xi32, #tpu.memory_space<hbm>>) dst(%arg12 : memref<40xi32, #tpu.memory_space<vmem>>)
      tpu.yield
    }) : () -> ()
    "tpu.region"() ({
      %run_scoped3A = tpu.sem_alloc : memref<!tpu.dma_semaphore, #tpu.memory_space<semaphore_mem>>
      %dma_start3A_69 = tpu.memref_slice %arg6[%mul3A_2] : memref<320000xi32, #tpu.memory_space<hbm>> -> memref<40xi32, #tpu.memory_space<hbm>>
      %dma_start3A_70 = tpu.memref_slice %arg6[%mul3A_2] : memref<320000xi32, #tpu.memory_space<hbm>> -> memref<40xi32, #tpu.memory_space<hbm>>
      tpu.enqueue_dma source(%dma_start3A_70 : memref<40xi32, #tpu.memory_space<hbm>>) target(%arg14 : memref<40xi32, #tpu.memory_space<vmem>>) target_semaphore(%run_scoped3A : memref<!tpu.dma_semaphore, #tpu.memory_space<semaphore_mem>>)
      %dma_wait3A_71 = tpu.memref_slice %arg6[%mul3A_2] : memref<320000xi32, #tpu.memory_space<hbm>> -> memref<40xi32, #tpu.memory_space<hbm>>
      %dma_wait3A_72 = tpu.memref_slice %arg6[%mul3A_2] : memref<320000xi32, #tpu.memory_space<hbm>> -> memref<40xi32, #tpu.memory_space<hbm>>
      tpu.wait_dma2 semaphore(%run_scoped3A : memref<!tpu.dma_semaphore, #tpu.memory_space<semaphore_mem>>) src(%dma_wait3A_72 : memref<40xi32, #tpu.memory_space<hbm>>) dst(%arg14 : memref<40xi32, #tpu.memory_space<vmem>>)
      tpu.yield
    }) : () -> ()
    %min3A = arith.constant 0 : i32
    %min3A_10 = arith.constant 249 : i32
    %min3A_11 = arith.minsi %min3A, %min3A_10 : i32
    %mul3A_12 = arith.constant 40 : i32
    %mul3A_13 = arith.muli %min3A_11, %mul3A_12 : i32
    %add3A_14 = arith.addi %mul3A_2, %mul3A_13 : i32
    %dma_start3A = arith.constant 0 : i32
    %dma_start3A_15 = arith.constant 0 : i32
    %dma_start3A_16 = tpu.memref_slice %arg2[%dma_start3A, %dma_start3A_15] : memref<10000x128xf32, #tpu.memory_space<hbm>> -> memref<10000x128xf32, #tpu.memory_space<hbm>>
    tpu.enqueue_indirect_dma source(%dma_start3A_16 : memref<10000x128xf32, #tpu.memory_space<hbm>>) target(%arg16 : memref<40x128xf32, #tpu.memory_space<vmem>>) offsets(%arg12 : memref<40xi32, #tpu.memory_space<vmem>>) semaphore(%arg27 : memref<!tpu.dma_semaphore, #tpu.memory_space<semaphore_mem>>)
    %dma_start3A_17 = arith.constant 0 : i32
    %dma_start3A_18 = arith.constant 0 : i32
    %dma_start3A_19 = tpu.memref_slice %arg3[%dma_start3A_17, %dma_start3A_18] : memref<10000x128xf32, #tpu.memory_space<hbm>> -> memref<10000x128xf32, #tpu.memory_space<hbm>>
    tpu.enqueue_indirect_dma source(%dma_start3A_19 : memref<10000x128xf32, #tpu.memory_space<hbm>>) target(%arg18 : memref<40x128xf32, #tpu.memory_space<vmem>>) offsets(%arg14 : memref<40xi32, #tpu.memory_space<vmem>>) semaphore(%arg29 : memref<!tpu.dma_semaphore, #tpu.memory_space<semaphore_mem>>)
    %dma_start3A_20 = arith.constant 0 : i32
    %dma_start3A_21 = tpu.memref_slice %arg4[%add3A_14, %dma_start3A_20] : memref<320000x128xf32, #tpu.memory_space<hbm>> -> memref<40x128xf32, #tpu.memory_space<hbm>>
    %dma_start3A_22 = arith.constant 0 : i32
    %dma_start3A_23 = tpu.memref_slice %arg4[%add3A_14, %dma_start3A_22] : memref<320000x128xf32, #tpu.memory_space<hbm>> -> memref<40x128xf32, #tpu.memory_space<hbm>>
    tpu.enqueue_dma source(%dma_start3A_23 : memref<40x128xf32, #tpu.memory_space<hbm>>) target(%arg20 : memref<40x128xf32, #tpu.memory_space<vmem>>) target_semaphore(%arg31 : memref<!tpu.dma_semaphore, #tpu.memory_space<semaphore_mem>>)
    %min3A_24 = arith.constant 1 : i32
    %min3A_25 = arith.constant 249 : i32
    %min3A_26 = arith.minsi %min3A_24, %min3A_25 : i32
    %mul3A_27 = arith.constant 40 : i32
    %mul3A_28 = arith.muli %min3A_26, %mul3A_27 : i32
    %add3A_29 = arith.addi %mul3A_2, %mul3A_28 : i32
    %dma_start3A_30 = tpu.memref_slice %arg5[%add3A_29] : memref<320000xi32, #tpu.memory_space<hbm>> -> memref<40xi32, #tpu.memory_space<hbm>>
    %dma_start3A_31 = tpu.memref_slice %arg5[%add3A_29] : memref<320000xi32, #tpu.memory_space<hbm>> -> memref<40xi32, #tpu.memory_space<hbm>>
    tpu.enqueue_dma source(%dma_start3A_31 : memref<40xi32, #tpu.memory_space<hbm>>) target(%arg13 : memref<40xi32, #tpu.memory_space<vmem>>) target_semaphore(%arg26 : memref<!tpu.dma_semaphore, #tpu.memory_space<semaphore_mem>>)
    %dma_start3A_32 = tpu.memref_slice %arg6[%add3A_29] : memref<320000xi32, #tpu.memory_space<hbm>> -> memref<40xi32, #tpu.memory_space<hbm>>
    %dma_start3A_33 = tpu.memref_slice %arg6[%add3A_29] : memref<320000xi32, #tpu.memory_space<hbm>> -> memref<40xi32, #tpu.memory_space<hbm>>
    tpu.enqueue_dma source(%dma_start3A_33 : memref<40xi32, #tpu.memory_space<hbm>>) target(%arg15 : memref<40xi32, #tpu.memory_space<vmem>>) target_semaphore(%arg26 : memref<!tpu.dma_semaphore, #tpu.memory_space<semaphore_mem>>)
    %barrier3A = arith.constant 0 : index
    tpu.barrier barrier_id(%barrier3A)
    %scan3A_34 = arith.constant 0 : i32
    %scan3A_35 = arith.constant 125 : i32
    %scan3A_36 = arith.addi %scan3A_34, %scan3A_35 : i32
    %scan3A_37 = arith.constant 1 : i32
    scf.for %scan3A_69 = %scan3A_34 to %scan3A_36 step %scan3A_37  : i32 {
      %mul3A_70 = arith.constant 1 : i32
      %mul3A_71 = arith.muli %scan3A_69, %mul3A_70 : i32
      %add3A_72 = arith.constant 0 : i32
      %add3A_73 = arith.addi %add3A_72, %mul3A_71 : i32
      %mul3A_74 = arith.constant 2 : i32
      %mul3A_75 = arith.muli %mul3A_74, %add3A_73 : i32
      %add3A_76 = arith.constant 0 : i32
      %add3A_77 = arith.addi %mul3A_75, %add3A_76 : i32
      %dma_wait3A_78 = arith.constant 0 : i32
      %dma_wait3A_79 = tpu.memref_slice %arg5[%dma_wait3A_78] : memref<320000xi32, #tpu.memory_space<hbm>> -> memref<40xi32, #tpu.memory_space<hbm>>
      %dma_wait3A_80 = arith.constant 0 : i32
      %dma_wait3A_81 = tpu.memref_slice %arg5[%dma_wait3A_80] : memref<320000xi32, #tpu.memory_space<hbm>> -> memref<40xi32, #tpu.memory_space<hbm>>
      tpu.wait_dma2 semaphore(%arg26 : memref<!tpu.dma_semaphore, #tpu.memory_space<semaphore_mem>>) src(%dma_wait3A_81 : memref<40xi32, #tpu.memory_space<hbm>>) dst(%arg13 : memref<40xi32, #tpu.memory_space<vmem>>)
      %dma_wait3A_82 = arith.constant 0 : i32
      %dma_wait3A_83 = tpu.memref_slice %arg6[%dma_wait3A_82] : memref<320000xi32, #tpu.memory_space<hbm>> -> memref<40xi32, #tpu.memory_space<hbm>>
      %dma_wait3A_84 = arith.constant 0 : i32
      %dma_wait3A_85 = tpu.memref_slice %arg6[%dma_wait3A_84] : memref<320000xi32, #tpu.memory_space<hbm>> -> memref<40xi32, #tpu.memory_space<hbm>>
      tpu.wait_dma2 semaphore(%arg26 : memref<!tpu.dma_semaphore, #tpu.memory_space<semaphore_mem>>) src(%dma_wait3A_85 : memref<40xi32, #tpu.memory_space<hbm>>) dst(%arg15 : memref<40xi32, #tpu.memory_space<vmem>>)
      %ge3A = arith.constant 1 : i32
      %ge3A_86 = arith.cmpi sge, %add3A_77, %ge3A : i32
      %convert_element_type3A_87 = arith.extui %ge3A_86 : i1 to i32
      %cond3A_88 = arith.constant 0 : i32
      %cond3A_89 = arith.cmpi ne, %convert_element_type3A_87, %cond3A_88 : i32
      scf.if %cond3A_89 {
        %dma_wait3A_211 = arith.constant 0 : i32
        %dma_wait3A_212 = arith.constant 0 : i32
        %dma_wait3A_213 = tpu.memref_slice %arg9[%dma_wait3A_211, %dma_wait3A_212] : memref<320000x128xf32, #tpu.memory_space<hbm>> -> memref<40x128xf32, #tpu.memory_space<hbm>>
        %dma_wait3A_214 = arith.constant 0 : i32
        %dma_wait3A_215 = arith.constant 0 : i32
        %dma_wait3A_216 = tpu.memref_slice %arg9[%dma_wait3A_214, %dma_wait3A_215] : memref<320000x128xf32, #tpu.memory_space<hbm>> -> memref<40x128xf32, #tpu.memory_space<hbm>>
        tpu.wait_dma2 semaphore(%arg34 : memref<!tpu.dma_semaphore, #tpu.memory_space<semaphore_mem>>) src(%arg21 : memref<40x128xf32, #tpu.memory_space<vmem>>) dst(%dma_wait3A_216 : memref<40x128xf32, #tpu.memory_space<hbm>>)
      } else {
      }
      %add3A_90 = arith.constant 1 : i32
      %add3A_91 = arith.addi %add3A_77, %add3A_90 : i32
      %min3A_92 = arith.constant 249 : i32
      %min3A_93 = arith.minsi %add3A_91, %min3A_92 : i32
      %mul3A_94 = arith.constant 40 : i32
      %mul3A_95 = arith.muli %min3A_93, %mul3A_94 : i32
      %add3A_96 = arith.addi %mul3A_2, %mul3A_95 : i32
      %dma_start3A_97 = arith.constant 0 : i32
      %dma_start3A_98 = arith.constant 0 : i32
      %dma_start3A_99 = tpu.memref_slice %arg2[%dma_start3A_97, %dma_start3A_98] : memref<10000x128xf32, #tpu.memory_space<hbm>> -> memref<10000x128xf32, #tpu.memory_space<hbm>>
      tpu.enqueue_indirect_dma source(%dma_start3A_99 : memref<10000x128xf32, #tpu.memory_space<hbm>>) target(%arg17 : memref<40x128xf32, #tpu.memory_space<vmem>>) offsets(%arg13 : memref<40xi32, #tpu.memory_space<vmem>>) semaphore(%arg28 : memref<!tpu.dma_semaphore, #tpu.memory_space<semaphore_mem>>)
      %dma_start3A_100 = arith.constant 0 : i32
      %dma_start3A_101 = arith.constant 0 : i32
      %dma_start3A_102 = tpu.memref_slice %arg3[%dma_start3A_100, %dma_start3A_101] : memref<10000x128xf32, #tpu.memory_space<hbm>> -> memref<10000x128xf32, #tpu.memory_space<hbm>>
      tpu.enqueue_indirect_dma source(%dma_start3A_102 : memref<10000x128xf32, #tpu.memory_space<hbm>>) target(%arg19 : memref<40x128xf32, #tpu.memory_space<vmem>>) offsets(%arg15 : memref<40xi32, #tpu.memory_space<vmem>>) semaphore(%arg30 : memref<!tpu.dma_semaphore, #tpu.memory_space<semaphore_mem>>)
      %dma_start3A_103 = arith.constant 0 : i32
      %dma_start3A_104 = tpu.memref_slice %arg4[%add3A_96, %dma_start3A_103] : memref<320000x128xf32, #tpu.memory_space<hbm>> -> memref<40x128xf32, #tpu.memory_space<hbm>>
      %dma_start3A_105 = arith.constant 0 : i32
      %dma_start3A_106 = tpu.memref_slice %arg4[%add3A_96, %dma_start3A_105] : memref<320000x128xf32, #tpu.memory_space<hbm>> -> memref<40x128xf32, #tpu.memory_space<hbm>>
      tpu.enqueue_dma source(%dma_start3A_106 : memref<40x128xf32, #tpu.memory_space<hbm>>) target(%arg21 : memref<40x128xf32, #tpu.memory_space<vmem>>) target_semaphore(%arg32 : memref<!tpu.dma_semaphore, #tpu.memory_space<semaphore_mem>>)
      %dma_wait3A_107 = arith.constant 0 : i32
      %dma_wait3A_108 = arith.constant 0 : i32
      %dma_wait3A_109 = tpu.memref_slice %arg2[%dma_wait3A_107, %dma_wait3A_108] : memref<10000x128xf32, #tpu.memory_space<hbm>> -> memref<10000x128xf32, #tpu.memory_space<hbm>>
      tpu.wait_indirect_dma semaphore(%arg27 : memref<!tpu.dma_semaphore, #tpu.memory_space<semaphore_mem>>) src(%dma_wait3A_109 : memref<10000x128xf32, #tpu.memory_space<hbm>>) dst(%arg16 : memref<40x128xf32, #tpu.memory_space<vmem>>)
      %dma_wait3A_110 = arith.constant 0 : i32
      %dma_wait3A_111 = arith.constant 0 : i32
      %dma_wait3A_112 = tpu.memref_slice %arg3[%dma_wait3A_110, %dma_wait3A_111] : memref<10000x128xf32, #tpu.memory_space<hbm>> -> memref<10000x128xf32, #tpu.memory_space<hbm>>
      tpu.wait_indirect_dma semaphore(%arg29 : memref<!tpu.dma_semaphore, #tpu.memory_space<semaphore_mem>>) src(%dma_wait3A_112 : memref<10000x128xf32, #tpu.memory_space<hbm>>) dst(%arg18 : memref<40x128xf32, #tpu.memory_space<vmem>>)
      %dma_wait3A_113 = arith.constant 0 : i32
      %dma_wait3A_114 = arith.constant 0 : i32
      %dma_wait3A_115 = tpu.memref_slice %arg4[%dma_wait3A_113, %dma_wait3A_114] : memref<320000x128xf32, #tpu.memory_space<hbm>> -> memref<40x128xf32, #tpu.memory_space<hbm>>
      %dma_wait3A_116 = arith.constant 0 : i32
      %dma_wait3A_117 = arith.constant 0 : i32
      %dma_wait3A_118 = tpu.memref_slice %arg4[%dma_wait3A_116, %dma_wait3A_117] : memref<320000x128xf32, #tpu.memory_space<hbm>> -> memref<40x128xf32, #tpu.memory_space<hbm>>
      tpu.wait_dma2 semaphore(%arg31 : memref<!tpu.dma_semaphore, #tpu.memory_space<semaphore_mem>>) src(%dma_wait3A_118 : memref<40x128xf32, #tpu.memory_space<hbm>>) dst(%arg20 : memref<40x128xf32, #tpu.memory_space<vmem>>)
      %scan3A_119 = arith.constant 0 : i32
      %scan3A_120 = arith.constant 40 : i32
      %scan3A_121 = arith.addi %scan3A_119, %scan3A_120 : i32
      %scan3A_122 = arith.constant 1 : i32
      scf.for %scan3A_211 = %scan3A_119 to %scan3A_121 step %scan3A_122  : i32 {
        %mul3A_212 = arith.constant 1 : i32
        %mul3A_213 = arith.muli %scan3A_211, %mul3A_212 : i32
        %add3A_214 = arith.constant 0 : i32
        %add3A_215 = arith.addi %add3A_214, %mul3A_213 : i32
        %get3A = arith.index_cast %add3A_215 : i32 to index
        %get3A_216 = arith.constant 0 : index
        %get3A_217 = tpu.vector_load %arg20[%get3A, %get3A_216] {strides = array<i32>} : memref<40x128xf32, #tpu.memory_space<vmem>>, vector<1x16xf32>,
        %get3A_218 = vector.shape_cast %get3A_217 : vector<1x16xf32> to vector<16xf32>
        %get3A_219 = arith.index_cast %add3A_215 : i32 to index
        %get3A_220 = arith.constant 0 : index
        %get3A_221 = tpu.vector_load %arg16[%get3A_219, %get3A_220] {strides = array<i32>} : memref<40x128xf32, #tpu.memory_space<vmem>>, vector<1x16xf32>,
        %get3A_222 = vector.shape_cast %get3A_221 : vector<1x16xf32> to vector<16xf32>
        %add3A_223 = arith.addf %get3A_218, %get3A_222 : vector<16xf32>
        %get3A_224 = arith.index_cast %add3A_215 : i32 to index
        %get3A_225 = arith.constant 0 : index
        %get3A_226 = tpu.vector_load %arg18[%get3A_224, %get3A_225] {strides = array<i32>} : memref<40x128xf32, #tpu.memory_space<vmem>>, vector<1x16xf32>,
        %get3A_227 = vector.shape_cast %get3A_226 : vector<1x16xf32> to vector<16xf32>
        %add3A_228 = arith.addf %add3A_223, %get3A_227 : vector<16xf32>
        %mul3A_229 = arith.constant 0.00999999977 : f32
        %mul3A_230 = vector.broadcast %mul3A_229 : f32 to vector<16xf32>
        %mul3A_231 = arith.mulf %mul3A_230, %add3A_228 : vector<16xf32>
        %max3A = arith.maximumf %add3A_228, %mul3A_231 : vector<16xf32>
        %swap3A = arith.index_cast %add3A_215 : i32 to index
        %swap3A_232 = arith.constant 0 : index
        %swap3A_233 = tpu.vector_load %arg20[%swap3A, %swap3A_232] {strides = array<i32>} : memref<40x128xf32, #tpu.memory_space<vmem>>, vector<1x16xf32>,
        %swap3A_234 = vector.shape_cast %swap3A_233 : vector<1x16xf32> to vector<16xf32>
        %swap3A_235 = vector.shape_cast %max3A : vector<16xf32> to vector<1x16xf32>
        tpu.vector_store %arg20[%swap3A, %swap3A_232], %swap3A_235 {strides = array<i32>} : memref<40x128xf32, #tpu.memory_space<vmem>>, vector<1x16xf32>,
        %get3A_236 = arith.index_cast %add3A_215 : i32 to index
        %get3A_237 = arith.constant 16 : index
        %get3A_238 = tpu.vector_load %arg20[%get3A_236, %get3A_237] {strides = array<i32>} : memref<40x128xf32, #tpu.memory_space<vmem>>, vector<1x16xf32>,
        %get3A_239 = vector.shape_cast %get3A_238 : vector<1x16xf32> to vector<16xf32>
        %get3A_240 = arith.index_cast %add3A_215 : i32 to index
        %get3A_241 = arith.constant 16 : index
        %get3A_242 = tpu.vector_load %arg16[%get3A_240, %get3A_241] {strides = array<i32>} : memref<40x128xf32, #tpu.memory_space<vmem>>, vector<1x16xf32>,
        %get3A_243 = vector.shape_cast %get3A_242 : vector<1x16xf32> to vector<16xf32>
        %add3A_244 = arith.addf %get3A_239, %get3A_243 : vector<16xf32>
        %get3A_245 = arith.index_cast %add3A_215 : i32 to index
        %get3A_246 = arith.constant 16 : index
        %get3A_247 = tpu.vector_load %arg18[%get3A_245, %get3A_246] {strides = array<i32>} : memref<40x128xf32, #tpu.memory_space<vmem>>, vector<1x16xf32>,
        %get3A_248 = vector.shape_cast %get3A_247 : vector<1x16xf32> to vector<16xf32>
        %add3A_249 = arith.addf %add3A_244, %get3A_248 : vector<16xf32>
        %mul3A_250 = arith.constant 0.00999999977 : f32
        %mul3A_251 = vector.broadcast %mul3A_250 : f32 to vector<16xf32>
        %mul3A_252 = arith.mulf %mul3A_251, %add3A_249 : vector<16xf32>
        %max3A_253 = arith.maximumf %add3A_249, %mul3A_252 : vector<16xf32>
        %swap3A_254 = arith.index_cast %add3A_215 : i32 to index
        %swap3A_255 = arith.constant 16 : index
        %swap3A_256 = tpu.vector_load %arg20[%swap3A_254, %swap3A_255] {strides = array<i32>} : memref<40x128xf32, #tpu.memory_space<vmem>>, vector<1x16xf32>,
        %swap3A_257 = vector.shape_cast %swap3A_256 : vector<1x16xf32> to vector<16xf32>
        %swap3A_258 = vector.shape_cast %max3A_253 : vector<16xf32> to vector<1x16xf32>
        tpu.vector_store %arg20[%swap3A_254, %swap3A_255], %swap3A_258 {strides = array<i32>} : memref<40x128xf32, #tpu.memory_space<vmem>>, vector<1x16xf32>,
        %get3A_259 = arith.index_cast %add3A_215 : i32 to index
        %get3A_260 = arith.constant 32 : index
        %get3A_261 = tpu.vector_load %arg20[%get3A_259, %get3A_260] {strides = array<i32>} : memref<40x128xf32, #tpu.memory_space<vmem>>, vector<1x16xf32>,
        %get3A_262 = vector.shape_cast %get3A_261 : vector<1x16xf32> to vector<16xf32>
        %get3A_263 = arith.index_cast %add3A_215 : i32 to index
        %get3A_264 = arith.constant 32 : index
        %get3A_265 = tpu.vector_load %arg16[%get3A_263, %get3A_264] {strides = array<i32>} : memref<40x128xf32, #tpu.memory_space<vmem>>, vector<1x16xf32>,
        %get3A_266 = vector.shape_cast %get3A_265 : vector<1x16xf32> to vector<16xf32>
        %add3A_267 = arith.addf %get3A_262, %get3A_266 : vector<16xf32>
        %get3A_268 = arith.index_cast %add3A_215 : i32 to index
        %get3A_269 = arith.constant 32 : index
        %get3A_270 = tpu.vector_load %arg18[%get3A_268, %get3A_269] {strides = array<i32>} : memref<40x128xf32, #tpu.memory_space<vmem>>, vector<1x16xf32>,
        %get3A_271 = vector.shape_cast %get3A_270 : vector<1x16xf32> to vector<16xf32>
        %add3A_272 = arith.addf %add3A_267, %get3A_271 : vector<16xf32>
        %mul3A_273 = arith.constant 0.00999999977 : f32
        %mul3A_274 = vector.broadcast %mul3A_273 : f32 to vector<16xf32>
        %mul3A_275 = arith.mulf %mul3A_274, %add3A_272 : vector<16xf32>
        %max3A_276 = arith.maximumf %add3A_272, %mul3A_275 : vector<16xf32>
        %swap3A_277 = arith.index_cast %add3A_215 : i32 to index
        %swap3A_278 = arith.constant 32 : index
        %swap3A_279 = tpu.vector_load %arg20[%swap3A_277, %swap3A_278] {strides = array<i32>} : memref<40x128xf32, #tpu.memory_space<vmem>>, vector<1x16xf32>,
        %swap3A_280 = vector.shape_cast %swap3A_279 : vector<1x16xf32> to vector<16xf32>
        %swap3A_281 = vector.shape_cast %max3A_276 : vector<16xf32> to vector<1x16xf32>
        tpu.vector_store %arg20[%swap3A_277, %swap3A_278], %swap3A_281 {strides = array<i32>} : memref<40x128xf32, #tpu.memory_space<vmem>>, vector<1x16xf32>,
        %get3A_282 = arith.index_cast %add3A_215 : i32 to index
        %get3A_283 = arith.constant 48 : index
        %get3A_284 = tpu.vector_load %arg20[%get3A_282, %get3A_283] {strides = array<i32>} : memref<40x128xf32, #tpu.memory_space<vmem>>, vector<1x16xf32>,
        %get3A_285 = vector.shape_cast %get3A_284 : vector<1x16xf32> to vector<16xf32>
        %get3A_286 = arith.index_cast %add3A_215 : i32 to index
        %get3A_287 = arith.constant 48 : index
        %get3A_288 = tpu.vector_load %arg16[%get3A_286, %get3A_287] {strides = array<i32>} : memref<40x128xf32, #tpu.memory_space<vmem>>, vector<1x16xf32>,
        %get3A_289 = vector.shape_cast %get3A_288 : vector<1x16xf32> to vector<16xf32>
        %add3A_290 = arith.addf %get3A_285, %get3A_289 : vector<16xf32>
        %get3A_291 = arith.index_cast %add3A_215 : i32 to index
        %get3A_292 = arith.constant 48 : index
        %get3A_293 = tpu.vector_load %arg18[%get3A_291, %get3A_292] {strides = array<i32>} : memref<40x128xf32, #tpu.memory_space<vmem>>, vector<1x16xf32>,
        %get3A_294 = vector.shape_cast %get3A_293 : vector<1x16xf32> to vector<16xf32>
        %add3A_295 = arith.addf %add3A_290, %get3A_294 : vector<16xf32>
        %mul3A_296 = arith.constant 0.00999999977 : f32
        %mul3A_297 = vector.broadcast %mul3A_296 : f32 to vector<16xf32>
        %mul3A_298 = arith.mulf %mul3A_297, %add3A_295 : vector<16xf32>
        %max3A_299 = arith.maximumf %add3A_295, %mul3A_298 : vector<16xf32>
        %swap3A_300 = arith.index_cast %add3A_215 : i32 to index
        %swap3A_301 = arith.constant 48 : index
        %swap3A_302 = tpu.vector_load %arg20[%swap3A_300, %swap3A_301] {strides = array<i32>} : memref<40x128xf32, #tpu.memory_space<vmem>>, vector<1x16xf32>,
        %swap3A_303 = vector.shape_cast %swap3A_302 : vector<1x16xf32> to vector<16xf32>
        %swap3A_304 = vector.shape_cast %max3A_299 : vector<16xf32> to vector<1x16xf32>
        tpu.vector_store %arg20[%swap3A_300, %swap3A_301], %swap3A_304 {strides = array<i32>} : memref<40x128xf32, #tpu.memory_space<vmem>>, vector<1x16xf32>,
        %get3A_305 = arith.index_cast %add3A_215 : i32 to index
        %get3A_306 = arith.constant 64 : index
        %get3A_307 = tpu.vector_load %arg20[%get3A_305, %get3A_306] {strides = array<i32>} : memref<40x128xf32, #tpu.memory_space<vmem>>, vector<1x16xf32>,
        %get3A_308 = vector.shape_cast %get3A_307 : vector<1x16xf32> to vector<16xf32>
        %get3A_309 = arith.index_cast %add3A_215 : i32 to index
        %get3A_310 = arith.constant 64 : index
        %get3A_311 = tpu.vector_load %arg16[%get3A_309, %get3A_310] {strides = array<i32>} : memref<40x128xf32, #tpu.memory_space<vmem>>, vector<1x16xf32>,
        %get3A_312 = vector.shape_cast %get3A_311 : vector<1x16xf32> to vector<16xf32>
        %add3A_313 = arith.addf %get3A_308, %get3A_312 : vector<16xf32>
        %get3A_314 = arith.index_cast %add3A_215 : i32 to index
        %get3A_315 = arith.constant 64 : index
        %get3A_316 = tpu.vector_load %arg18[%get3A_314, %get3A_315] {strides = array<i32>} : memref<40x128xf32, #tpu.memory_space<vmem>>, vector<1x16xf32>,
        %get3A_317 = vector.shape_cast %get3A_316 : vector<1x16xf32> to vector<16xf32>
        %add3A_318 = arith.addf %add3A_313, %get3A_317 : vector<16xf32>
        %mul3A_319 = arith.constant 0.00999999977 : f32
        %mul3A_320 = vector.broadcast %mul3A_319 : f32 to vector<16xf32>
        %mul3A_321 = arith.mulf %mul3A_320, %add3A_318 : vector<16xf32>
        %max3A_322 = arith.maximumf %add3A_318, %mul3A_321 : vector<16xf32>
        %swap3A_323 = arith.index_cast %add3A_215 : i32 to index
        %swap3A_324 = arith.constant 64 : index
        %swap3A_325 = tpu.vector_load %arg20[%swap3A_323, %swap3A_324] {strides = array<i32>} : memref<40x128xf32, #tpu.memory_space<vmem>>, vector<1x16xf32>,
        %swap3A_326 = vector.shape_cast %swap3A_325 : vector<1x16xf32> to vector<16xf32>
        %swap3A_327 = vector.shape_cast %max3A_322 : vector<16xf32> to vector<1x16xf32>
        tpu.vector_store %arg20[%swap3A_323, %swap3A_324], %swap3A_327 {strides = array<i32>} : memref<40x128xf32, #tpu.memory_space<vmem>>, vector<1x16xf32>,
        %get3A_328 = arith.index_cast %add3A_215 : i32 to index
        %get3A_329 = arith.constant 80 : index
        %get3A_330 = tpu.vector_load %arg20[%get3A_328, %get3A_329] {strides = array<i32>} : memref<40x128xf32, #tpu.memory_space<vmem>>, vector<1x16xf32>,
        %get3A_331 = vector.shape_cast %get3A_330 : vector<1x16xf32> to vector<16xf32>
        %get3A_332 = arith.index_cast %add3A_215 : i32 to index
        %get3A_333 = arith.constant 80 : index
        %get3A_334 = tpu.vector_load %arg16[%get3A_332, %get3A_333] {strides = array<i32>} : memref<40x128xf32, #tpu.memory_space<vmem>>, vector<1x16xf32>,
        %get3A_335 = vector.shape_cast %get3A_334 : vector<1x16xf32> to vector<16xf32>
        %add3A_336 = arith.addf %get3A_331, %get3A_335 : vector<16xf32>
        %get3A_337 = arith.index_cast %add3A_215 : i32 to index
        %get3A_338 = arith.constant 80 : index
        %get3A_339 = tpu.vector_load %arg18[%get3A_337, %get3A_338] {strides = array<i32>} : memref<40x128xf32, #tpu.memory_space<vmem>>, vector<1x16xf32>,
        %get3A_340 = vector.shape_cast %get3A_339 : vector<1x16xf32> to vector<16xf32>
        %add3A_341 = arith.addf %add3A_336, %get3A_340 : vector<16xf32>
        %mul3A_342 = arith.constant 0.00999999977 : f32
        %mul3A_343 = vector.broadcast %mul3A_342 : f32 to vector<16xf32>
        %mul3A_344 = arith.mulf %mul3A_343, %add3A_341 : vector<16xf32>
        %max3A_345 = arith.maximumf %add3A_341, %mul3A_344 : vector<16xf32>
        %swap3A_346 = arith.index_cast %add3A_215 : i32 to index
        %swap3A_347 = arith.constant 80 : index
        %swap3A_348 = tpu.vector_load %arg20[%swap3A_346, %swap3A_347] {strides = array<i32>} : memref<40x128xf32, #tpu.memory_space<vmem>>, vector<1x16xf32>,
        %swap3A_349 = vector.shape_cast %swap3A_348 : vector<1x16xf32> to vector<16xf32>
        %swap3A_350 = vector.shape_cast %max3A_345 : vector<16xf32> to vector<1x16xf32>
        tpu.vector_store %arg20[%swap3A_346, %swap3A_347], %swap3A_350 {strides = array<i32>} : memref<40x128xf32, #tpu.memory_space<vmem>>, vector<1x16xf32>,
        %get3A_351 = arith.index_cast %add3A_215 : i32 to index
        %get3A_352 = arith.constant 96 : index
        %get3A_353 = tpu.vector_load %arg20[%get3A_351, %get3A_352] {strides = array<i32>} : memref<40x128xf32, #tpu.memory_space<vmem>>, vector<1x16xf32>,
        %get3A_354 = vector.shape_cast %get3A_353 : vector<1x16xf32> to vector<16xf32>
        %get3A_355 = arith.index_cast %add3A_215 : i32 to index
        %get3A_356 = arith.constant 96 : index
        %get3A_357 = tpu.vector_load %arg16[%get3A_355, %get3A_356] {strides = array<i32>} : memref<40x128xf32, #tpu.memory_space<vmem>>, vector<1x16xf32>,
        %get3A_358 = vector.shape_cast %get3A_357 : vector<1x16xf32> to vector<16xf32>
        %add3A_359 = arith.addf %get3A_354, %get3A_358 : vector<16xf32>
        %get3A_360 = arith.index_cast %add3A_215 : i32 to index
        %get3A_361 = arith.constant 96 : index
        %get3A_362 = tpu.vector_load %arg18[%get3A_360, %get3A_361] {strides = array<i32>} : memref<40x128xf32, #tpu.memory_space<vmem>>, vector<1x16xf32>,
        %get3A_363 = vector.shape_cast %get3A_362 : vector<1x16xf32> to vector<16xf32>
        %add3A_364 = arith.addf %add3A_359, %get3A_363 : vector<16xf32>
        %mul3A_365 = arith.constant 0.00999999977 : f32
        %mul3A_366 = vector.broadcast %mul3A_365 : f32 to vector<16xf32>
        %mul3A_367 = arith.mulf %mul3A_366, %add3A_364 : vector<16xf32>
        %max3A_368 = arith.maximumf %add3A_364, %mul3A_367 : vector<16xf32>
        %swap3A_369 = arith.index_cast %add3A_215 : i32 to index
        %swap3A_370 = arith.constant 96 : index
        %swap3A_371 = tpu.vector_load %arg20[%swap3A_369, %swap3A_370] {strides = array<i32>} : memref<40x128xf32, #tpu.memory_space<vmem>>, vector<1x16xf32>,
        %swap3A_372 = vector.shape_cast %swap3A_371 : vector<1x16xf32> to vector<16xf32>
        %swap3A_373 = vector.shape_cast %max3A_368 : vector<16xf32> to vector<1x16xf32>
        tpu.vector_store %arg20[%swap3A_369, %swap3A_370], %swap3A_373 {strides = array<i32>} : memref<40x128xf32, #tpu.memory_space<vmem>>, vector<1x16xf32>,
        %get3A_374 = arith.index_cast %add3A_215 : i32 to index
        %get3A_375 = arith.constant 112 : index
        %get3A_376 = tpu.vector_load %arg20[%get3A_374, %get3A_375] {strides = array<i32>} : memref<40x128xf32, #tpu.memory_space<vmem>>, vector<1x16xf32>,
        %get3A_377 = vector.shape_cast %get3A_376 : vector<1x16xf32> to vector<16xf32>
        %get3A_378 = arith.index_cast %add3A_215 : i32 to index
        %get3A_379 = arith.constant 112 : index
        %get3A_380 = tpu.vector_load %arg16[%get3A_378, %get3A_379] {strides = array<i32>} : memref<40x128xf32, #tpu.memory_space<vmem>>, vector<1x16xf32>,
        %get3A_381 = vector.shape_cast %get3A_380 : vector<1x16xf32> to vector<16xf32>
        %add3A_382 = arith.addf %get3A_377, %get3A_381 : vector<16xf32>
        %get3A_383 = arith.index_cast %add3A_215 : i32 to index
        %get3A_384 = arith.constant 112 : index
        %get3A_385 = tpu.vector_load %arg18[%get3A_383, %get3A_384] {strides = array<i32>} : memref<40x128xf32, #tpu.memory_space<vmem>>, vector<1x16xf32>,
        %get3A_386 = vector.shape_cast %get3A_385 : vector<1x16xf32> to vector<16xf32>
        %add3A_387 = arith.addf %add3A_382, %get3A_386 : vector<16xf32>
        %mul3A_388 = arith.constant 0.00999999977 : f32
        %mul3A_389 = vector.broadcast %mul3A_388 : f32 to vector<16xf32>
        %mul3A_390 = arith.mulf %mul3A_389, %add3A_387 : vector<16xf32>
        %max3A_391 = arith.maximumf %add3A_387, %mul3A_390 : vector<16xf32>
        %swap3A_392 = arith.index_cast %add3A_215 : i32 to index
        %swap3A_393 = arith.constant 112 : index
        %swap3A_394 = tpu.vector_load %arg20[%swap3A_392, %swap3A_393] {strides = array<i32>} : memref<40x128xf32, #tpu.memory_space<vmem>>, vector<1x16xf32>,
        %swap3A_395 = vector.shape_cast %swap3A_394 : vector<1x16xf32> to vector<16xf32>
        %swap3A_396 = vector.shape_cast %max3A_391 : vector<16xf32> to vector<1x16xf32>
        tpu.vector_store %arg20[%swap3A_392, %swap3A_393], %swap3A_396 {strides = array<i32>} : memref<40x128xf32, #tpu.memory_space<vmem>>, vector<1x16xf32>,
      }
      %scan3A_123 = arith.constant 40 : i32
      %mul3A_124 = arith.constant 40 : i32
      %mul3A_125 = arith.muli %add3A_77, %mul3A_124 : i32
      %add3A_126 = arith.addi %mul3A_2, %mul3A_125 : i32
      %dma_start3A_127 = arith.constant 0 : i32
      %dma_start3A_128 = tpu.memref_slice %arg9[%add3A_126, %dma_start3A_127] : memref<320000x128xf32, #tpu.memory_space<hbm>> -> memref<40x128xf32, #tpu.memory_space<hbm>>
      %dma_start3A_129 = arith.constant 0 : i32
      %dma_start3A_130 = tpu.memref_slice %arg9[%add3A_126, %dma_start3A_129] : memref<320000x128xf32, #tpu.memory_space<hbm>> -> memref<40x128xf32, #tpu.memory_space<hbm>>
      tpu.enqueue_dma source(%arg20 : memref<40x128xf32, #tpu.memory_space<vmem>>) target(%dma_start3A_130 : memref<40x128xf32, #tpu.memory_space<hbm>>) target_semaphore(%arg33 : memref<!tpu.dma_semaphore, #tpu.memory_space<semaphore_mem>>)
      "tpu.region"() ({
        %run_scoped3A = tpu.sem_alloc : memref<!tpu.dma_semaphore, #tpu.memory_space<semaphore_mem>>
        %dma_start3A_211 = arith.constant 0 : i32
        %dma_start3A_212 = arith.constant 0 : i32
        %dma_start3A_213 = tpu.memref_slice %arg23[%dma_start3A_211, %dma_start3A_212] : memref<10000x128xf32, #tpu.memory_space<vmem_shared>> -> memref<10000x128xf32, #tpu.memory_space<vmem_shared>>
        tpu.enqueue_indirect_dma source(%arg20 : memref<40x128xf32, #tpu.memory_space<vmem>>) target(%dma_start3A_213 : memref<10000x128xf32, #tpu.memory_space<vmem_shared>>) offsets(%arg14 : memref<40xi32, #tpu.memory_space<vmem>>) semaphore(%run_scoped3A : memref<!tpu.dma_semaphore, #tpu.memory_space<semaphore_mem>>) {add = true}
        %dma_wait3A_214 = arith.constant 0 : i32
        %dma_wait3A_215 = arith.constant 0 : i32
        %dma_wait3A_216 = tpu.memref_slice %arg23[%dma_wait3A_214, %dma_wait3A_215] : memref<10000x128xf32, #tpu.memory_space<vmem_shared>> -> memref<10000x128xf32, #tpu.memory_space<vmem_shared>>
        tpu.wait_indirect_dma semaphore(%run_scoped3A : memref<!tpu.dma_semaphore, #tpu.memory_space<semaphore_mem>>) src(%arg20 : memref<40x128xf32, #tpu.memory_space<vmem>>) dst(%dma_wait3A_216 : memref<10000x128xf32, #tpu.memory_space<vmem_shared>>)
        tpu.yield
      }) : () -> ()
      "tpu.region"() ({
        %run_scoped3A = tpu.sem_alloc : memref<!tpu.dma_semaphore, #tpu.memory_space<semaphore_mem>>
        %dma_start3A_211 = arith.constant 0 : i32
        %dma_start3A_212 = arith.constant 0 : i32
        %dma_start3A_213 = tpu.memref_slice %arg24[%dma_start3A_211, %dma_start3A_212] : memref<10000x16xf32, #tpu.memory_space<vmem_shared>> -> memref<10000x16xf32, #tpu.memory_space<vmem_shared>>
        tpu.enqueue_indirect_dma source(%arg22 : memref<40x16xf32, #tpu.memory_space<vmem>>) target(%dma_start3A_213 : memref<10000x16xf32, #tpu.memory_space<vmem_shared>>) offsets(%arg14 : memref<40xi32, #tpu.memory_space<vmem>>) semaphore(%run_scoped3A : memref<!tpu.dma_semaphore, #tpu.memory_space<semaphore_mem>>) {add = true}
        %dma_wait3A_214 = arith.constant 0 : i32
        %dma_wait3A_215 = arith.constant 0 : i32
        %dma_wait3A_216 = tpu.memref_slice %arg24[%dma_wait3A_214, %dma_wait3A_215] : memref<10000x16xf32, #tpu.memory_space<vmem_shared>> -> memref<10000x16xf32, #tpu.memory_space<vmem_shared>>
        tpu.wait_indirect_dma semaphore(%run_scoped3A : memref<!tpu.dma_semaphore, #tpu.memory_space<semaphore_mem>>) src(%arg22 : memref<40x16xf32, #tpu.memory_space<vmem>>) dst(%dma_wait3A_216 : memref<10000x16xf32, #tpu.memory_space<vmem_shared>>)
        tpu.yield
      }) : () -> ()
      %add3A_131 = arith.constant 2 : i32
      %add3A_132 = arith.addi %add3A_77, %add3A_131 : i32
      %min3A_133 = arith.constant 249 : i32
      %min3A_134 = arith.minsi %add3A_132, %min3A_133 : i32
      %mul3A_135 = arith.constant 40 : i32
      %mul3A_136 = arith.muli %min3A_134, %mul3A_135 : i32
      %add3A_137 = arith.addi %mul3A_2, %mul3A_136 : i32
      %dma_start3A_138 = tpu.memref_slice %arg5[%add3A_137] : memref<320000xi32, #tpu.memory_space<hbm>> -> memref<40xi32, #tpu.memory_space<hbm>>
      %dma_start3A_139 = tpu.memref_slice %arg5[%add3A_137] : memref<320000xi32, #tpu.memory_space<hbm>> -> memref<40xi32, #tpu.memory_space<hbm>>
      tpu.enqueue_dma source(%dma_start3A_139 : memref<40xi32, #tpu.memory_space<hbm>>) target(%arg12 : memref<40xi32, #tpu.memory_space<vmem>>) target_semaphore(%arg25 : memref<!tpu.dma_semaphore, #tpu.memory_space<semaphore_mem>>)
      %dma_start3A_140 = tpu.memref_slice %arg6[%add3A_137] : memref<320000xi32, #tpu.memory_space<hbm>> -> memref<40xi32, #tpu.memory_space<hbm>>
      %dma_start3A_141 = tpu.memref_slice %arg6[%add3A_137] : memref<320000xi32, #tpu.memory_space<hbm>> -> memref<40xi32, #tpu.memory_space<hbm>>
      tpu.enqueue_dma source(%dma_start3A_141 : memref<40xi32, #tpu.memory_space<hbm>>) target(%arg14 : memref<40xi32, #tpu.memory_space<vmem>>) target_semaphore(%arg25 : memref<!tpu.dma_semaphore, #tpu.memory_space<semaphore_mem>>)
      %mul3A_142 = arith.constant 2 : i32
      %mul3A_143 = arith.muli %mul3A_142, %add3A_73 : i32
      %add3A_144 = arith.constant 1 : i32
      %add3A_145 = arith.addi %mul3A_143, %add3A_144 : i32
      %dma_wait3A_146 = arith.constant 0 : i32
      %dma_wait3A_147 = tpu.memref_slice %arg5[%dma_wait3A_146] : memref<320000xi32, #tpu.memory_space<hbm>> -> memref<40xi32, #tpu.memory_space<hbm>>
      %dma_wait3A_148 = arith.constant 0 : i32
      %dma_wait3A_149 = tpu.memref_slice %arg5[%dma_wait3A_148] : memref<320000xi32, #tpu.memory_space<hbm>> -> memref<40xi32, #tpu.memory_space<hbm>>
      tpu.wait_dma2 semaphore(%arg25 : memref<!tpu.dma_semaphore, #tpu.memory_space<semaphore_mem>>) src(%dma_wait3A_149 : memref<40xi32, #tpu.memory_space<hbm>>) dst(%arg12 : memref<40xi32, #tpu.memory_space<vmem>>)
      %dma_wait3A_150 = arith.constant 0 : i32
      %dma_wait3A_151 = tpu.memref_slice %arg6[%dma_wait3A_150] : memref<320000xi32, #tpu.memory_space<hbm>> -> memref<40xi32, #tpu.memory_space<hbm>>
      %dma_wait3A_152 = arith.constant 0 : i32
      %dma_wait3A_153 = tpu.memref_slice %arg6[%dma_wait3A_152] : memref<320000xi32, #tpu.memory_space<hbm>> -> memref<40xi32, #tpu.memory_space<hbm>>
      tpu.wait_dma2 semaphore(%arg25 : memref<!tpu.dma_semaphore, #tpu.memory_space<semaphore_mem>>) src(%dma_wait3A_153 : memref<40xi32, #tpu.memory_space<hbm>>) dst(%arg14 : memref<40xi32, #tpu.memory_space<vmem>>)
      %ge3A_154 = arith.constant 1 : i32
      %ge3A_155 = arith.cmpi sge, %add3A_145, %ge3A_154 : i32
      %convert_element_type3A_156 = arith.extui %ge3A_155 : i1 to i32
      %cond3A_157 = arith.constant 0 : i32
      %cond3A_158 = arith.cmpi ne, %convert_element_type3A_156, %cond3A_157 : i32
      scf.if %cond3A_158 {
        %dma_wait3A_211 = arith.constant 0 : i32
        %dma_wait3A_212 = arith.constant 0 : i32
        %dma_wait3A_213 = tpu.memref_slice %arg9[%dma_wait3A_211, %dma_wait3A_212] : memref<320000x128xf32, #tpu.memory_space<hbm>> -> memref<40x128xf32, #tpu.memory_space<hbm>>
        %dma_wait3A_214 = arith.constant 0 : i32
        %dma_wait3A_215 = arith.constant 0 : i32
        %dma_wait3A_216 = tpu.memref_slice %arg9[%dma_wait3A_214, %dma_wait3A_215] : memref<320000x128xf32, #tpu.memory_space<hbm>> -> memref<40x128xf32, #tpu.memory_space<hbm>>
        tpu.wait_dma2 semaphore(%arg33 : memref<!tpu.dma_semaphore, #tpu.memory_space<semaphore_mem>>) src(%arg20 : memref<40x128xf32, #tpu.memory_space<vmem>>) dst(%dma_wait3A_216 : memref<40x128xf32, #tpu.memory_space<hbm>>)
      } else {
      }
      %add3A_159 = arith.constant 1 : i32
      %add3A_160 = arith.addi %add3A_145, %add3A_159 : i32
      %min3A_161 = arith.constant 249 : i32
      %min3A_162 = arith.minsi %add3A_160, %min3A_161 : i32
      %mul3A_163 = arith.constant 40 : i32
      %mul3A_164 = arith.muli %min3A_162, %mul3A_163 : i32
      %add3A_165 = arith.addi %mul3A_2, %mul3A_164 : i32
      %dma_start3A_166 = arith.constant 0 : i32
      %dma_start3A_167 = arith.constant 0 : i32
      %dma_start3A_168 = tpu.memref_slice %arg2[%dma_start3A_166, %dma_start3A_167] : memref<10000x128xf32, #tpu.memory_space<hbm>> -> memref<10000x128xf32, #tpu.memory_space<hbm>>
      tpu.enqueue_indirect_dma source(%dma_start3A_168 : memref<10000x128xf32, #tpu.memory_space<hbm>>) target(%arg16 : memref<40x128xf32, #tpu.memory_space<vmem>>) offsets(%arg12 : memref<40xi32, #tpu.memory_space<vmem>>) semaphore(%arg27 : memref<!tpu.dma_semaphore, #tpu.memory_space<semaphore_mem>>)
      %dma_start3A_169 = arith.constant 0 : i32
      %dma_start3A_170 = arith.constant 0 : i32
      %dma_start3A_171 = tpu.memref_slice %arg3[%dma_start3A_169, %dma_start3A_170] : memref<10000x128xf32, #tpu.memory_space<hbm>> -> memref<10000x128xf32, #tpu.memory_space<hbm>>
      tpu.enqueue_indirect_dma source(%dma_start3A_171 : memref<10000x128xf32, #tpu.memory_space<hbm>>) target(%arg18 : memref<40x128xf32, #tpu.memory_space<vmem>>) offsets(%arg14 : memref<40xi32, #tpu.memory_space<vmem>>) semaphore(%arg29 : memref<!tpu.dma_semaphore, #tpu.memory_space<semaphore_mem>>)
      %dma_start3A_172 = arith.constant 0 : i32
      %dma_start3A_173 = tpu.memref_slice %arg4[%add3A_165, %dma_start3A_172] : memref<320000x128xf32, #tpu.memory_space<hbm>> -> memref<40x128xf32, #tpu.memory_space<hbm>>
      %dma_start3A_174 = arith.constant 0 : i32
      %dma_start3A_175 = tpu.memref_slice %arg4[%add3A_165, %dma_start3A_174] : memref<320000x128xf32, #tpu.memory_space<hbm>> -> memref<40x128xf32, #tpu.memory_space<hbm>>
      tpu.enqueue_dma source(%dma_start3A_175 : memref<40x128xf32, #tpu.memory_space<hbm>>) target(%arg20 : memref<40x128xf32, #tpu.memory_space<vmem>>) target_semaphore(%arg31 : memref<!tpu.dma_semaphore, #tpu.memory_space<semaphore_mem>>)
      %dma_wait3A_176 = arith.constant 0 : i32
      %dma_wait3A_177 = arith.constant 0 : i32
      %dma_wait3A_178 = tpu.memref_slice %arg2[%dma_wait3A_176, %dma_wait3A_177] : memref<10000x128xf32, #tpu.memory_space<hbm>> -> memref<10000x128xf32, #tpu.memory_space<hbm>>
      tpu.wait_indirect_dma semaphore(%arg28 : memref<!tpu.dma_semaphore, #tpu.memory_space<semaphore_mem>>) src(%dma_wait3A_178 : memref<10000x128xf32, #tpu.memory_space<hbm>>) dst(%arg17 : memref<40x128xf32, #tpu.memory_space<vmem>>)
      %dma_wait3A_179 = arith.constant 0 : i32
      %dma_wait3A_180 = arith.constant 0 : i32
      %dma_wait3A_181 = tpu.memref_slice %arg3[%dma_wait3A_179, %dma_wait3A_180] : memref<10000x128xf32, #tpu.memory_space<hbm>> -> memref<10000x128xf32, #tpu.memory_space<hbm>>
      tpu.wait_indirect_dma semaphore(%arg30 : memref<!tpu.dma_semaphore, #tpu.memory_space<semaphore_mem>>) src(%dma_wait3A_181 : memref<10000x128xf32, #tpu.memory_space<hbm>>) dst(%arg19 : memref<40x128xf32, #tpu.memory_space<vmem>>)
      %dma_wait3A_182 = arith.constant 0 : i32
      %dma_wait3A_183 = arith.constant 0 : i32
      %dma_wait3A_184 = tpu.memref_slice %arg4[%dma_wait3A_182, %dma_wait3A_183] : memref<320000x128xf32, #tpu.memory_space<hbm>> -> memref<40x128xf32, #tpu.memory_space<hbm>>
      %dma_wait3A_185 = arith.constant 0 : i32
      %dma_wait3A_186 = arith.constant 0 : i32
      %dma_wait3A_187 = tpu.memref_slice %arg4[%dma_wait3A_185, %dma_wait3A_186] : memref<320000x128xf32, #tpu.memory_space<hbm>> -> memref<40x128xf32, #tpu.memory_space<hbm>>
      tpu.wait_dma2 semaphore(%arg32 : memref<!tpu.dma_semaphore, #tpu.memory_space<semaphore_mem>>) src(%dma_wait3A_187 : memref<40x128xf32, #tpu.memory_space<hbm>>) dst(%arg21 : memref<40x128xf32, #tpu.memory_space<vmem>>)
      %scan3A_188 = arith.constant 0 : i32
      %scan3A_189 = arith.constant 40 : i32
      %scan3A_190 = arith.addi %scan3A_188, %scan3A_189 : i32
      %scan3A_191 = arith.constant 1 : i32
      scf.for %scan3A_211 = %scan3A_188 to %scan3A_190 step %scan3A_191  : i32 {
        %mul3A_212 = arith.constant 1 : i32
        %mul3A_213 = arith.muli %scan3A_211, %mul3A_212 : i32
        %add3A_214 = arith.constant 0 : i32
        %add3A_215 = arith.addi %add3A_214, %mul3A_213 : i32
        %get3A = arith.index_cast %add3A_215 : i32 to index
        %get3A_216 = arith.constant 0 : index
        %get3A_217 = tpu.vector_load %arg21[%get3A, %get3A_216] {strides = array<i32>} : memref<40x128xf32, #tpu.memory_space<vmem>>, vector<1x16xf32>,
        %get3A_218 = vector.shape_cast %get3A_217 : vector<1x16xf32> to vector<16xf32>
        %get3A_219 = arith.index_cast %add3A_215 : i32 to index
        %get3A_220 = arith.constant 0 : index
        %get3A_221 = tpu.vector_load %arg17[%get3A_219, %get3A_220] {strides = array<i32>} : memref<40x128xf32, #tpu.memory_space<vmem>>, vector<1x16xf32>,
        %get3A_222 = vector.shape_cast %get3A_221 : vector<1x16xf32> to vector<16xf32>
        %add3A_223 = arith.addf %get3A_218, %get3A_222 : vector<16xf32>
        %get3A_224 = arith.index_cast %add3A_215 : i32 to index
        %get3A_225 = arith.constant 0 : index
        %get3A_226 = tpu.vector_load %arg19[%get3A_224, %get3A_225] {strides = array<i32>} : memref<40x128xf32, #tpu.memory_space<vmem>>, vector<1x16xf32>,
        %get3A_227 = vector.shape_cast %get3A_226 : vector<1x16xf32> to vector<16xf32>
        %add3A_228 = arith.addf %add3A_223, %get3A_227 : vector<16xf32>
        %mul3A_229 = arith.constant 0.00999999977 : f32
        %mul3A_230 = vector.broadcast %mul3A_229 : f32 to vector<16xf32>
        %mul3A_231 = arith.mulf %mul3A_230, %add3A_228 : vector<16xf32>
        %max3A = arith.maximumf %add3A_228, %mul3A_231 : vector<16xf32>
        %swap3A = arith.index_cast %add3A_215 : i32 to index
        %swap3A_232 = arith.constant 0 : index
        %swap3A_233 = tpu.vector_load %arg21[%swap3A, %swap3A_232] {strides = array<i32>} : memref<40x128xf32, #tpu.memory_space<vmem>>, vector<1x16xf32>,
        %swap3A_234 = vector.shape_cast %swap3A_233 : vector<1x16xf32> to vector<16xf32>
        %swap3A_235 = vector.shape_cast %max3A : vector<16xf32> to vector<1x16xf32>
        tpu.vector_store %arg21[%swap3A, %swap3A_232], %swap3A_235 {strides = array<i32>} : memref<40x128xf32, #tpu.memory_space<vmem>>, vector<1x16xf32>,
        %get3A_236 = arith.index_cast %add3A_215 : i32 to index
        %get3A_237 = arith.constant 16 : index
        %get3A_238 = tpu.vector_load %arg21[%get3A_236, %get3A_237] {strides = array<i32>} : memref<40x128xf32, #tpu.memory_space<vmem>>, vector<1x16xf32>,
        %get3A_239 = vector.shape_cast %get3A_238 : vector<1x16xf32> to vector<16xf32>
        %get3A_240 = arith.index_cast %add3A_215 : i32 to index
        %get3A_241 = arith.constant 16 : index
        %get3A_242 = tpu.vector_load %arg17[%get3A_240, %get3A_241] {strides = array<i32>} : memref<40x128xf32, #tpu.memory_space<vmem>>, vector<1x16xf32>,
        %get3A_243 = vector.shape_cast %get3A_242 : vector<1x16xf32> to vector<16xf32>
        %add3A_244 = arith.addf %get3A_239, %get3A_243 : vector<16xf32>
        %get3A_245 = arith.index_cast %add3A_215 : i32 to index
        %get3A_246 = arith.constant 16 : index
        %get3A_247 = tpu.vector_load %arg19[%get3A_245, %get3A_246] {strides = array<i32>} : memref<40x128xf32, #tpu.memory_space<vmem>>, vector<1x16xf32>,
        %get3A_248 = vector.shape_cast %get3A_247 : vector<1x16xf32> to vector<16xf32>
        %add3A_249 = arith.addf %add3A_244, %get3A_248 : vector<16xf32>
        %mul3A_250 = arith.constant 0.00999999977 : f32
        %mul3A_251 = vector.broadcast %mul3A_250 : f32 to vector<16xf32>
        %mul3A_252 = arith.mulf %mul3A_251, %add3A_249 : vector<16xf32>
        %max3A_253 = arith.maximumf %add3A_249, %mul3A_252 : vector<16xf32>
        %swap3A_254 = arith.index_cast %add3A_215 : i32 to index
        %swap3A_255 = arith.constant 16 : index
        %swap3A_256 = tpu.vector_load %arg21[%swap3A_254, %swap3A_255] {strides = array<i32>} : memref<40x128xf32, #tpu.memory_space<vmem>>, vector<1x16xf32>,
        %swap3A_257 = vector.shape_cast %swap3A_256 : vector<1x16xf32> to vector<16xf32>
        %swap3A_258 = vector.shape_cast %max3A_253 : vector<16xf32> to vector<1x16xf32>
        tpu.vector_store %arg21[%swap3A_254, %swap3A_255], %swap3A_258 {strides = array<i32>} : memref<40x128xf32, #tpu.memory_space<vmem>>, vector<1x16xf32>,
        %get3A_259 = arith.index_cast %add3A_215 : i32 to index
        %get3A_260 = arith.constant 32 : index
        %get3A_261 = tpu.vector_load %arg21[%get3A_259, %get3A_260] {strides = array<i32>} : memref<40x128xf32, #tpu.memory_space<vmem>>, vector<1x16xf32>,
        %get3A_262 = vector.shape_cast %get3A_261 : vector<1x16xf32> to vector<16xf32>
        %get3A_263 = arith.index_cast %add3A_215 : i32 to index
        %get3A_264 = arith.constant 32 : index
        %get3A_265 = tpu.vector_load %arg17[%get3A_263, %get3A_264] {strides = array<i32>} : memref<40x128xf32, #tpu.memory_space<vmem>>, vector<1x16xf32>,
        %get3A_266 = vector.shape_cast %get3A_265 : vector<1x16xf32> to vector<16xf32>
        %add3A_267 = arith.addf %get3A_262, %get3A_266 : vector<16xf32>
        %get3A_268 = arith.index_cast %add3A_215 : i32 to index
        %get3A_269 = arith.constant 32 : index
        %get3A_270 = tpu.vector_load %arg19[%get3A_268, %get3A_269] {strides = array<i32>} : memref<40x128xf32, #tpu.memory_space<vmem>>, vector<1x16xf32>,
        %get3A_271 = vector.shape_cast %get3A_270 : vector<1x16xf32> to vector<16xf32>
        %add3A_272 = arith.addf %add3A_267, %get3A_271 : vector<16xf32>
        %mul3A_273 = arith.constant 0.00999999977 : f32
        %mul3A_274 = vector.broadcast %mul3A_273 : f32 to vector<16xf32>
        %mul3A_275 = arith.mulf %mul3A_274, %add3A_272 : vector<16xf32>
        %max3A_276 = arith.maximumf %add3A_272, %mul3A_275 : vector<16xf32>
        %swap3A_277 = arith.index_cast %add3A_215 : i32 to index
        %swap3A_278 = arith.constant 32 : index
        %swap3A_279 = tpu.vector_load %arg21[%swap3A_277, %swap3A_278] {strides = array<i32>} : memref<40x128xf32, #tpu.memory_space<vmem>>, vector<1x16xf32>,
        %swap3A_280 = vector.shape_cast %swap3A_279 : vector<1x16xf32> to vector<16xf32>
        %swap3A_281 = vector.shape_cast %max3A_276 : vector<16xf32> to vector<1x16xf32>
        tpu.vector_store %arg21[%swap3A_277, %swap3A_278], %swap3A_281 {strides = array<i32>} : memref<40x128xf32, #tpu.memory_space<vmem>>, vector<1x16xf32>,
        %get3A_282 = arith.index_cast %add3A_215 : i32 to index
        %get3A_283 = arith.constant 48 : index
        %get3A_284 = tpu.vector_load %arg21[%get3A_282, %get3A_283] {strides = array<i32>} : memref<40x128xf32, #tpu.memory_space<vmem>>, vector<1x16xf32>,
        %get3A_285 = vector.shape_cast %get3A_284 : vector<1x16xf32> to vector<16xf32>
        %get3A_286 = arith.index_cast %add3A_215 : i32 to index
        %get3A_287 = arith.constant 48 : index
        %get3A_288 = tpu.vector_load %arg17[%get3A_286, %get3A_287] {strides = array<i32>} : memref<40x128xf32, #tpu.memory_space<vmem>>, vector<1x16xf32>,
        %get3A_289 = vector.shape_cast %get3A_288 : vector<1x16xf32> to vector<16xf32>
        %add3A_290 = arith.addf %get3A_285, %get3A_289 : vector<16xf32>
        %get3A_291 = arith.index_cast %add3A_215 : i32 to index
        %get3A_292 = arith.constant 48 : index
        %get3A_293 = tpu.vector_load %arg19[%get3A_291, %get3A_292] {strides = array<i32>} : memref<40x128xf32, #tpu.memory_space<vmem>>, vector<1x16xf32>,
        %get3A_294 = vector.shape_cast %get3A_293 : vector<1x16xf32> to vector<16xf32>
        %add3A_295 = arith.addf %add3A_290, %get3A_294 : vector<16xf32>
        %mul3A_296 = arith.constant 0.00999999977 : f32
        %mul3A_297 = vector.broadcast %mul3A_296 : f32 to vector<16xf32>
        %mul3A_298 = arith.mulf %mul3A_297, %add3A_295 : vector<16xf32>
        %max3A_299 = arith.maximumf %add3A_295, %mul3A_298 : vector<16xf32>
        %swap3A_300 = arith.index_cast %add3A_215 : i32 to index
        %swap3A_301 = arith.constant 48 : index
        %swap3A_302 = tpu.vector_load %arg21[%swap3A_300, %swap3A_301] {strides = array<i32>} : memref<40x128xf32, #tpu.memory_space<vmem>>, vector<1x16xf32>,
        %swap3A_303 = vector.shape_cast %swap3A_302 : vector<1x16xf32> to vector<16xf32>
        %swap3A_304 = vector.shape_cast %max3A_299 : vector<16xf32> to vector<1x16xf32>
        tpu.vector_store %arg21[%swap3A_300, %swap3A_301], %swap3A_304 {strides = array<i32>} : memref<40x128xf32, #tpu.memory_space<vmem>>, vector<1x16xf32>,
        %get3A_305 = arith.index_cast %add3A_215 : i32 to index
        %get3A_306 = arith.constant 64 : index
        %get3A_307 = tpu.vector_load %arg21[%get3A_305, %get3A_306] {strides = array<i32>} : memref<40x128xf32, #tpu.memory_space<vmem>>, vector<1x16xf32>,
        %get3A_308 = vector.shape_cast %get3A_307 : vector<1x16xf32> to vector<16xf32>
        %get3A_309 = arith.index_cast %add3A_215 : i32 to index
        %get3A_310 = arith.constant 64 : index
        %get3A_311 = tpu.vector_load %arg17[%get3A_309, %get3A_310] {strides = array<i32>} : memref<40x128xf32, #tpu.memory_space<vmem>>, vector<1x16xf32>,
        %get3A_312 = vector.shape_cast %get3A_311 : vector<1x16xf32> to vector<16xf32>
        %add3A_313 = arith.addf %get3A_308, %get3A_312 : vector<16xf32>
        %get3A_314 = arith.index_cast %add3A_215 : i32 to index
        %get3A_315 = arith.constant 64 : index
        %get3A_316 = tpu.vector_load %arg19[%get3A_314, %get3A_315] {strides = array<i32>} : memref<40x128xf32, #tpu.memory_space<vmem>>, vector<1x16xf32>,
        %get3A_317 = vector.shape_cast %get3A_316 : vector<1x16xf32> to vector<16xf32>
        %add3A_318 = arith.addf %add3A_313, %get3A_317 : vector<16xf32>
        %mul3A_319 = arith.constant 0.00999999977 : f32
        %mul3A_320 = vector.broadcast %mul3A_319 : f32 to vector<16xf32>
        %mul3A_321 = arith.mulf %mul3A_320, %add3A_318 : vector<16xf32>
        %max3A_322 = arith.maximumf %add3A_318, %mul3A_321 : vector<16xf32>
        %swap3A_323 = arith.index_cast %add3A_215 : i32 to index
        %swap3A_324 = arith.constant 64 : index
        %swap3A_325 = tpu.vector_load %arg21[%swap3A_323, %swap3A_324] {strides = array<i32>} : memref<40x128xf32, #tpu.memory_space<vmem>>, vector<1x16xf32>,
        %swap3A_326 = vector.shape_cast %swap3A_325 : vector<1x16xf32> to vector<16xf32>
        %swap3A_327 = vector.shape_cast %max3A_322 : vector<16xf32> to vector<1x16xf32>
        tpu.vector_store %arg21[%swap3A_323, %swap3A_324], %swap3A_327 {strides = array<i32>} : memref<40x128xf32, #tpu.memory_space<vmem>>, vector<1x16xf32>,
        %get3A_328 = arith.index_cast %add3A_215 : i32 to index
        %get3A_329 = arith.constant 80 : index
        %get3A_330 = tpu.vector_load %arg21[%get3A_328, %get3A_329] {strides = array<i32>} : memref<40x128xf32, #tpu.memory_space<vmem>>, vector<1x16xf32>,
        %get3A_331 = vector.shape_cast %get3A_330 : vector<1x16xf32> to vector<16xf32>
        %get3A_332 = arith.index_cast %add3A_215 : i32 to index
        %get3A_333 = arith.constant 80 : index
        %get3A_334 = tpu.vector_load %arg17[%get3A_332, %get3A_333] {strides = array<i32>} : memref<40x128xf32, #tpu.memory_space<vmem>>, vector<1x16xf32>,
        %get3A_335 = vector.shape_cast %get3A_334 : vector<1x16xf32> to vector<16xf32>
        %add3A_336 = arith.addf %get3A_331, %get3A_335 : vector<16xf32>
        %get3A_337 = arith.index_cast %add3A_215 : i32 to index
        %get3A_338 = arith.constant 80 : index
        %get3A_339 = tpu.vector_load %arg19[%get3A_337, %get3A_338] {strides = array<i32>} : memref<40x128xf32, #tpu.memory_space<vmem>>, vector<1x16xf32>,
        %get3A_340 = vector.shape_cast %get3A_339 : vector<1x16xf32> to vector<16xf32>
        %add3A_341 = arith.addf %add3A_336, %get3A_340 : vector<16xf32>
        %mul3A_342 = arith.constant 0.00999999977 : f32
        %mul3A_343 = vector.broadcast %mul3A_342 : f32 to vector<16xf32>
        %mul3A_344 = arith.mulf %mul3A_343, %add3A_341 : vector<16xf32>
        %max3A_345 = arith.maximumf %add3A_341, %mul3A_344 : vector<16xf32>
        %swap3A_346 = arith.index_cast %add3A_215 : i32 to index
        %swap3A_347 = arith.constant 80 : index
        %swap3A_348 = tpu.vector_load %arg21[%swap3A_346, %swap3A_347] {strides = array<i32>} : memref<40x128xf32, #tpu.memory_space<vmem>>, vector<1x16xf32>,
        %swap3A_349 = vector.shape_cast %swap3A_348 : vector<1x16xf32> to vector<16xf32>
        %swap3A_350 = vector.shape_cast %max3A_345 : vector<16xf32> to vector<1x16xf32>
        tpu.vector_store %arg21[%swap3A_346, %swap3A_347], %swap3A_350 {strides = array<i32>} : memref<40x128xf32, #tpu.memory_space<vmem>>, vector<1x16xf32>,
        %get3A_351 = arith.index_cast %add3A_215 : i32 to index
        %get3A_352 = arith.constant 96 : index
        %get3A_353 = tpu.vector_load %arg21[%get3A_351, %get3A_352] {strides = array<i32>} : memref<40x128xf32, #tpu.memory_space<vmem>>, vector<1x16xf32>,
        %get3A_354 = vector.shape_cast %get3A_353 : vector<1x16xf32> to vector<16xf32>
        %get3A_355 = arith.index_cast %add3A_215 : i32 to index
        %get3A_356 = arith.constant 96 : index
        %get3A_357 = tpu.vector_load %arg17[%get3A_355, %get3A_356] {strides = array<i32>} : memref<40x128xf32, #tpu.memory_space<vmem>>, vector<1x16xf32>,
        %get3A_358 = vector.shape_cast %get3A_357 : vector<1x16xf32> to vector<16xf32>
        %add3A_359 = arith.addf %get3A_354, %get3A_358 : vector<16xf32>
        %get3A_360 = arith.index_cast %add3A_215 : i32 to index
        %get3A_361 = arith.constant 96 : index
        %get3A_362 = tpu.vector_load %arg19[%get3A_360, %get3A_361] {strides = array<i32>} : memref<40x128xf32, #tpu.memory_space<vmem>>, vector<1x16xf32>,
        %get3A_363 = vector.shape_cast %get3A_362 : vector<1x16xf32> to vector<16xf32>
        %add3A_364 = arith.addf %add3A_359, %get3A_363 : vector<16xf32>
        %mul3A_365 = arith.constant 0.00999999977 : f32
        %mul3A_366 = vector.broadcast %mul3A_365 : f32 to vector<16xf32>
        %mul3A_367 = arith.mulf %mul3A_366, %add3A_364 : vector<16xf32>
        %max3A_368 = arith.maximumf %add3A_364, %mul3A_367 : vector<16xf32>
        %swap3A_369 = arith.index_cast %add3A_215 : i32 to index
        %swap3A_370 = arith.constant 96 : index
        %swap3A_371 = tpu.vector_load %arg21[%swap3A_369, %swap3A_370] {strides = array<i32>} : memref<40x128xf32, #tpu.memory_space<vmem>>, vector<1x16xf32>,
        %swap3A_372 = vector.shape_cast %swap3A_371 : vector<1x16xf32> to vector<16xf32>
        %swap3A_373 = vector.shape_cast %max3A_368 : vector<16xf32> to vector<1x16xf32>
        tpu.vector_store %arg21[%swap3A_369, %swap3A_370], %swap3A_373 {strides = array<i32>} : memref<40x128xf32, #tpu.memory_space<vmem>>, vector<1x16xf32>,
        %get3A_374 = arith.index_cast %add3A_215 : i32 to index
        %get3A_375 = arith.constant 112 : index
        %get3A_376 = tpu.vector_load %arg21[%get3A_374, %get3A_375] {strides = array<i32>} : memref<40x128xf32, #tpu.memory_space<vmem>>, vector<1x16xf32>,
        %get3A_377 = vector.shape_cast %get3A_376 : vector<1x16xf32> to vector<16xf32>
        %get3A_378 = arith.index_cast %add3A_215 : i32 to index
        %get3A_379 = arith.constant 112 : index
        %get3A_380 = tpu.vector_load %arg17[%get3A_378, %get3A_379] {strides = array<i32>} : memref<40x128xf32, #tpu.memory_space<vmem>>, vector<1x16xf32>,
        %get3A_381 = vector.shape_cast %get3A_380 : vector<1x16xf32> to vector<16xf32>
        %add3A_382 = arith.addf %get3A_377, %get3A_381 : vector<16xf32>
        %get3A_383 = arith.index_cast %add3A_215 : i32 to index
        %get3A_384 = arith.constant 112 : index
        %get3A_385 = tpu.vector_load %arg19[%get3A_383, %get3A_384] {strides = array<i32>} : memref<40x128xf32, #tpu.memory_space<vmem>>, vector<1x16xf32>,
        %get3A_386 = vector.shape_cast %get3A_385 : vector<1x16xf32> to vector<16xf32>
        %add3A_387 = arith.addf %add3A_382, %get3A_386 : vector<16xf32>
        %mul3A_388 = arith.constant 0.00999999977 : f32
        %mul3A_389 = vector.broadcast %mul3A_388 : f32 to vector<16xf32>
        %mul3A_390 = arith.mulf %mul3A_389, %add3A_387 : vector<16xf32>
        %max3A_391 = arith.maximumf %add3A_387, %mul3A_390 : vector<16xf32>
        %swap3A_392 = arith.index_cast %add3A_215 : i32 to index
        %swap3A_393 = arith.constant 112 : index
        %swap3A_394 = tpu.vector_load %arg21[%swap3A_392, %swap3A_393] {strides = array<i32>} : memref<40x128xf32, #tpu.memory_space<vmem>>, vector<1x16xf32>,
        %swap3A_395 = vector.shape_cast %swap3A_394 : vector<1x16xf32> to vector<16xf32>
        %swap3A_396 = vector.shape_cast %max3A_391 : vector<16xf32> to vector<1x16xf32>
        tpu.vector_store %arg21[%swap3A_392, %swap3A_393], %swap3A_396 {strides = array<i32>} : memref<40x128xf32, #tpu.memory_space<vmem>>, vector<1x16xf32>,
      }
      %scan3A_192 = arith.constant 40 : i32
      %mul3A_193 = arith.constant 40 : i32
      %mul3A_194 = arith.muli %add3A_145, %mul3A_193 : i32
      %add3A_195 = arith.addi %mul3A_2, %mul3A_194 : i32
      %dma_start3A_196 = arith.constant 0 : i32
      %dma_start3A_197 = tpu.memref_slice %arg9[%add3A_195, %dma_start3A_196] : memref<320000x128xf32, #tpu.memory_space<hbm>> -> memref<40x128xf32, #tpu.memory_space<hbm>>
      %dma_start3A_198 = arith.constant 0 : i32
      %dma_start3A_199 = tpu.memref_slice %arg9[%add3A_195, %dma_start3A_198] : memref<320000x128xf32, #tpu.memory_space<hbm>> -> memref<40x128xf32, #tpu.memory_space<hbm>>
      tpu.enqueue_dma source(%arg21 : memref<40x128xf32, #tpu.memory_space<vmem>>) target(%dma_start3A_199 : memref<40x128xf32, #tpu.memory_space<hbm>>) target_semaphore(%arg34 : memref<!tpu.dma_semaphore, #tpu.memory_space<semaphore_mem>>)
      "tpu.region"() ({
        %run_scoped3A = tpu.sem_alloc : memref<!tpu.dma_semaphore, #tpu.memory_space<semaphore_mem>>
        %dma_start3A_211 = arith.constant 0 : i32
        %dma_start3A_212 = arith.constant 0 : i32
        %dma_start3A_213 = tpu.memref_slice %arg23[%dma_start3A_211, %dma_start3A_212] : memref<10000x128xf32, #tpu.memory_space<vmem_shared>> -> memref<10000x128xf32, #tpu.memory_space<vmem_shared>>
        tpu.enqueue_indirect_dma source(%arg21 : memref<40x128xf32, #tpu.memory_space<vmem>>) target(%dma_start3A_213 : memref<10000x128xf32, #tpu.memory_space<vmem_shared>>) offsets(%arg15 : memref<40xi32, #tpu.memory_space<vmem>>) semaphore(%run_scoped3A : memref<!tpu.dma_semaphore, #tpu.memory_space<semaphore_mem>>) {add = true}
        %dma_wait3A_214 = arith.constant 0 : i32
        %dma_wait3A_215 = arith.constant 0 : i32
        %dma_wait3A_216 = tpu.memref_slice %arg23[%dma_wait3A_214, %dma_wait3A_215] : memref<10000x128xf32, #tpu.memory_space<vmem_shared>> -> memref<10000x128xf32, #tpu.memory_space<vmem_shared>>
        tpu.wait_indirect_dma semaphore(%run_scoped3A : memref<!tpu.dma_semaphore, #tpu.memory_space<semaphore_mem>>) src(%arg21 : memref<40x128xf32, #tpu.memory_space<vmem>>) dst(%dma_wait3A_216 : memref<10000x128xf32, #tpu.memory_space<vmem_shared>>)
        tpu.yield
      }) : () -> ()
      "tpu.region"() ({
        %run_scoped3A = tpu.sem_alloc : memref<!tpu.dma_semaphore, #tpu.memory_space<semaphore_mem>>
        %dma_start3A_211 = arith.constant 0 : i32
        %dma_start3A_212 = arith.constant 0 : i32
        %dma_start3A_213 = tpu.memref_slice %arg24[%dma_start3A_211, %dma_start3A_212] : memref<10000x16xf32, #tpu.memory_space<vmem_shared>> -> memref<10000x16xf32, #tpu.memory_space<vmem_shared>>
        tpu.enqueue_indirect_dma source(%arg22 : memref<40x16xf32, #tpu.memory_space<vmem>>) target(%dma_start3A_213 : memref<10000x16xf32, #tpu.memory_space<vmem_shared>>) offsets(%arg15 : memref<40xi32, #tpu.memory_space<vmem>>) semaphore(%run_scoped3A : memref<!tpu.dma_semaphore, #tpu.memory_space<semaphore_mem>>) {add = true}
        %dma_wait3A_214 = arith.constant 0 : i32
        %dma_wait3A_215 = arith.constant 0 : i32
        %dma_wait3A_216 = tpu.memref_slice %arg24[%dma_wait3A_214, %dma_wait3A_215] : memref<10000x16xf32, #tpu.memory_space<vmem_shared>> -> memref<10000x16xf32, #tpu.memory_space<vmem_shared>>
        tpu.wait_indirect_dma semaphore(%run_scoped3A : memref<!tpu.dma_semaphore, #tpu.memory_space<semaphore_mem>>) src(%arg22 : memref<40x16xf32, #tpu.memory_space<vmem>>) dst(%dma_wait3A_216 : memref<10000x16xf32, #tpu.memory_space<vmem_shared>>)
        tpu.yield
      }) : () -> ()
      %add3A_200 = arith.constant 2 : i32
      %add3A_201 = arith.addi %add3A_145, %add3A_200 : i32
      %min3A_202 = arith.constant 249 : i32
      %min3A_203 = arith.minsi %add3A_201, %min3A_202 : i32
      %mul3A_204 = arith.constant 40 : i32
      %mul3A_205 = arith.muli %min3A_203, %mul3A_204 : i32
      %add3A_206 = arith.addi %mul3A_2, %mul3A_205 : i32
      %dma_start3A_207 = tpu.memref_slice %arg5[%add3A_206] : memref<320000xi32, #tpu.memory_space<hbm>> -> memref<40xi32, #tpu.memory_space<hbm>>
      %dma_start3A_208 = tpu.memref_slice %arg5[%add3A_206] : memref<320000xi32, #tpu.memory_space<hbm>> -> memref<40xi32, #tpu.memory_space<hbm>>
      tpu.enqueue_dma source(%dma_start3A_208 : memref<40xi32, #tpu.memory_space<hbm>>) target(%arg13 : memref<40xi32, #tpu.memory_space<vmem>>) target_semaphore(%arg26 : memref<!tpu.dma_semaphore, #tpu.memory_space<semaphore_mem>>)
      %dma_start3A_209 = tpu.memref_slice %arg6[%add3A_206] : memref<320000xi32, #tpu.memory_space<hbm>> -> memref<40xi32, #tpu.memory_space<hbm>>
      %dma_start3A_210 = tpu.memref_slice %arg6[%add3A_206] : memref<320000xi32, #tpu.memory_space<hbm>> -> memref<40xi32, #tpu.memory_space<hbm>>
      tpu.enqueue_dma source(%dma_start3A_210 : memref<40xi32, #tpu.memory_space<hbm>>) target(%arg15 : memref<40xi32, #tpu.memory_space<vmem>>) target_semaphore(%arg26 : memref<!tpu.dma_semaphore, #tpu.memory_space<semaphore_mem>>)
    }
    %scan3A_38 = arith.constant 125 : i32
    %dma_wait3A = arith.constant 0 : i32
    %dma_wait3A_39 = tpu.memref_slice %arg5[%dma_wait3A] : memref<320000xi32, #tpu.memory_space<hbm>> -> memref<40xi32, #tpu.memory_space<hbm>>
    %dma_wait3A_40 = arith.constant 0 : i32
    %dma_wait3A_41 = tpu.memref_slice %arg5[%dma_wait3A_40] : memref<320000xi32, #tpu.memory_space<hbm>> -> memref<40xi32, #tpu.memory_space<hbm>>
    tpu.wait_dma2 semaphore(%arg26 : memref<!tpu.dma_semaphore, #tpu.memory_space<semaphore_mem>>) src(%dma_wait3A_41 : memref<40xi32, #tpu.memory_space<hbm>>) dst(%arg13 : memref<40xi32, #tpu.memory_space<vmem>>)
    %dma_wait3A_42 = arith.constant 0 : i32
    %dma_wait3A_43 = tpu.memref_slice %arg6[%dma_wait3A_42] : memref<320000xi32, #tpu.memory_space<hbm>> -> memref<40xi32, #tpu.memory_space<hbm>>
    %dma_wait3A_44 = arith.constant 0 : i32
    %dma_wait3A_45 = tpu.memref_slice %arg6[%dma_wait3A_44] : memref<320000xi32, #tpu.memory_space<hbm>> -> memref<40xi32, #tpu.memory_space<hbm>>
    tpu.wait_dma2 semaphore(%arg26 : memref<!tpu.dma_semaphore, #tpu.memory_space<semaphore_mem>>) src(%dma_wait3A_45 : memref<40xi32, #tpu.memory_space<hbm>>) dst(%arg15 : memref<40xi32, #tpu.memory_space<vmem>>)
    %dma_wait3A_46 = arith.constant 0 : i32
    %dma_wait3A_47 = arith.constant 0 : i32
    %dma_wait3A_48 = tpu.memref_slice %arg2[%dma_wait3A_46, %dma_wait3A_47] : memref<10000x128xf32, #tpu.memory_space<hbm>> -> memref<10000x128xf32, #tpu.memory_space<hbm>>
    tpu.wait_indirect_dma semaphore(%arg27 : memref<!tpu.dma_semaphore, #tpu.memory_space<semaphore_mem>>) src(%dma_wait3A_48 : memref<10000x128xf32, #tpu.memory_space<hbm>>) dst(%arg16 : memref<40x128xf32, #tpu.memory_space<vmem>>)
    %dma_wait3A_49 = arith.constant 0 : i32
    %dma_wait3A_50 = arith.constant 0 : i32
    %dma_wait3A_51 = tpu.memref_slice %arg3[%dma_wait3A_49, %dma_wait3A_50] : memref<10000x128xf32, #tpu.memory_space<hbm>> -> memref<10000x128xf32, #tpu.memory_space<hbm>>
    tpu.wait_indirect_dma semaphore(%arg29 : memref<!tpu.dma_semaphore, #tpu.memory_space<semaphore_mem>>) src(%dma_wait3A_51 : memref<10000x128xf32, #tpu.memory_space<hbm>>) dst(%arg18 : memref<40x128xf32, #tpu.memory_space<vmem>>)
    %dma_wait3A_52 = arith.constant 0 : i32
    %dma_wait3A_53 = arith.constant 0 : i32
    %dma_wait3A_54 = tpu.memref_slice %arg4[%dma_wait3A_52, %dma_wait3A_53] : memref<320000x128xf32, #tpu.memory_space<hbm>> -> memref<40x128xf32, #tpu.memory_space<hbm>>
    %dma_wait3A_55 = arith.constant 0 : i32
    %dma_wait3A_56 = arith.constant 0 : i32
    %dma_wait3A_57 = tpu.memref_slice %arg4[%dma_wait3A_55, %dma_wait3A_56] : memref<320000x128xf32, #tpu.memory_space<hbm>> -> memref<40x128xf32, #tpu.memory_space<hbm>>
    tpu.wait_dma2 semaphore(%arg31 : memref<!tpu.dma_semaphore, #tpu.memory_space<semaphore_mem>>) src(%dma_wait3A_57 : memref<40x128xf32, #tpu.memory_space<hbm>>) dst(%arg20 : memref<40x128xf32, #tpu.memory_space<vmem>>)
    %dma_wait3A_58 = arith.constant 0 : i32
    %dma_wait3A_59 = arith.constant 0 : i32
    %dma_wait3A_60 = tpu.memref_slice %arg9[%dma_wait3A_58, %dma_wait3A_59] : memref<320000x128xf32, #tpu.memory_space<hbm>> -> memref<40x128xf32, #tpu.memory_space<hbm>>
    %dma_wait3A_61 = arith.constant 0 : i32
    %dma_wait3A_62 = arith.constant 0 : i32
    %dma_wait3A_63 = tpu.memref_slice %arg9[%dma_wait3A_61, %dma_wait3A_62] : memref<320000x128xf32, #tpu.memory_space<hbm>> -> memref<40x128xf32, #tpu.memory_space<hbm>>
    tpu.wait_dma2 semaphore(%arg34 : memref<!tpu.dma_semaphore, #tpu.memory_space<semaphore_mem>>) src(%arg21 : memref<40x128xf32, #tpu.memory_space<vmem>>) dst(%dma_wait3A_63 : memref<40x128xf32, #tpu.memory_space<hbm>>)
    %barrier3A_64 = arith.constant 0 : index
    tpu.barrier barrier_id(%barrier3A_64)
    %eq3A = arith.constant 0 : i32
    %eq3A_65 = arith.cmpi eq, %arg1, %eq3A : i32
    %convert_element_type3A_66 = arith.extui %eq3A_65 : i1 to i32
    %cond3A_67 = arith.constant 0 : i32
    %cond3A_68 = arith.cmpi ne, %convert_element_type3A_66, %cond3A_67 : i32
    scf.if %cond3A_68 {
      "tpu.region"() ({
        %run_scoped3A = tpu.sem_alloc : memref<!tpu.dma_semaphore, #tpu.memory_space<semaphore_mem>>
        %dma_start3A_69 = arith.constant 0 : i32
        %dma_start3A_70 = arith.constant 0 : i32
        %dma_start3A_71 = tpu.memref_slice %arg10[%arg0, %dma_start3A_69, %dma_start3A_70] : memref<2x10000x128xf32, #tpu.memory_space<hbm>> -> memref<1x10000x128xf32, #tpu.memory_space<hbm>>
        %dma_start3A_72 = tpu.memref_squeeze %dma_start3A_71 : memref<1x10000x128xf32, #tpu.memory_space<hbm>> -> memref<10000x128xf32, #tpu.memory_space<hbm>>
        tpu.enqueue_dma source(%arg23 : memref<10000x128xf32, #tpu.memory_space<vmem_shared>>) target(%dma_start3A_72 : memref<10000x128xf32, #tpu.memory_space<hbm>>) target_semaphore(%run_scoped3A : memref<!tpu.dma_semaphore, #tpu.memory_space<semaphore_mem>>)
        %dma_wait3A_73 = arith.constant 0 : i32
        %dma_wait3A_74 = arith.constant 0 : i32
        %dma_wait3A_75 = tpu.memref_slice %arg10[%arg0, %dma_wait3A_73, %dma_wait3A_74] : memref<2x10000x128xf32, #tpu.memory_space<hbm>> -> memref<1x10000x128xf32, #tpu.memory_space<hbm>>
        %dma_wait3A_76 = tpu.memref_squeeze %dma_wait3A_75 : memref<1x10000x128xf32, #tpu.memory_space<hbm>> -> memref<10000x128xf32, #tpu.memory_space<hbm>>
        tpu.wait_dma2 semaphore(%run_scoped3A : memref<!tpu.dma_semaphore, #tpu.memory_space<semaphore_mem>>) src(%arg23 : memref<10000x128xf32, #tpu.memory_space<vmem_shared>>) dst(%dma_wait3A_76 : memref<10000x128xf32, #tpu.memory_space<hbm>>)
        tpu.yield
      }) : () -> ()
      "tpu.region"() ({
        %run_scoped3A = tpu.sem_alloc : memref<!tpu.dma_semaphore, #tpu.memory_space<semaphore_mem>>
        %dma_start3A_69 = arith.constant 0 : i32
        %dma_start3A_70 = arith.constant 0 : i32
        %dma_start3A_71 = tpu.memref_slice %arg11[%arg0, %dma_start3A_69, %dma_start3A_70] : memref<2x10000x16xf32, #tpu.memory_space<hbm>> -> memref<1x10000x16xf32, #tpu.memory_space<hbm>>
        %dma_start3A_72 = tpu.memref_squeeze %dma_start3A_71 : memref<1x10000x16xf32, #tpu.memory_space<hbm>> -> memref<10000x16xf32, #tpu.memory_space<hbm>>
        tpu.enqueue_dma source(%arg24 : memref<10000x16xf32, #tpu.memory_space<vmem_shared>>) target(%dma_start3A_72 : memref<10000x16xf32, #tpu.memory_space<hbm>>) target_semaphore(%run_scoped3A : memref<!tpu.dma_semaphore, #tpu.memory_space<semaphore_mem>>)
        %dma_wait3A_73 = arith.constant 0 : i32
        %dma_wait3A_74 = arith.constant 0 : i32
        %dma_wait3A_75 = tpu.memref_slice %arg11[%arg0, %dma_wait3A_73, %dma_wait3A_74] : memref<2x10000x16xf32, #tpu.memory_space<hbm>> -> memref<1x10000x16xf32, #tpu.memory_space<hbm>>
        %dma_wait3A_76 = tpu.memref_squeeze %dma_wait3A_75 : memref<1x10000x16xf32, #tpu.memory_space<hbm>> -> memref<10000x16xf32, #tpu.memory_space<hbm>>
        tpu.wait_dma2 semaphore(%run_scoped3A : memref<!tpu.dma_semaphore, #tpu.memory_space<semaphore_mem>>) src(%arg24 : memref<10000x16xf32, #tpu.memory_space<vmem_shared>>) dst(%dma_wait3A_76 : memref<10000x16xf32, #tpu.memory_space<hbm>>)
        tpu.yield
      }) : () -> ()
    } else {
    }
    return
  }
}

module attributes {stable_mosaic.version = 14 : i64} {
  func.func @_mm_t_body(%arg0: i32, %arg1: memref<1000x128xf32, #tpu.memory_space<vmem>>, %arg2: memref<512x128xf32, #tpu.memory_space<vmem>>, %arg3: memref<1000x512xf32, #tpu.memory_space<vmem>>) attributes {dimension_semantics = [#tpu.dimension_semantics<arbitrary>], iteration_bounds = array<i64: 10>, scalar_prefetch = 0 : i64, scratch_operands = 0 : i64, tpu.core_type = #tpu.core_type<tc>, window_params = [{transform_indices = @transform_0, window_bounds = array<i64: 1000, 128>}, {pipeline_mode = #tpu.pipeline_mode<synchronous>, transform_indices = @transform_1, window_bounds = array<i64: 512, 128>}, {transform_indices = @transform_2, window_bounds = array<i64: 1000, 512>}]} {
    %get3A = arith.constant 0 : index
    %get3A_0 = arith.constant 0 : index
    %get3A_1 = vector.load %arg1[%get3A, %get3A_0] : memref<1000x128xf32, #tpu.memory_space<vmem>>, vector<1000x128xf32>
    %get3A_2 = arith.constant 0 : index
    %get3A_3 = arith.constant 0 : index
    %get3A_4 = vector.load %arg2[%get3A_2, %get3A_3] : memref<512x128xf32, #tpu.memory_space<vmem>>, vector<512x128xf32>
    %dot_general3A = arith.constant dense<0.000000e+00> : vector<1000x512xf32>
    %dot_general3A_5 = tpu.matmul %get3A_1, %get3A_4, %dot_general3A {dimension_numbers = #tpu.dot_dimension_numbers<[1], [1], [0], [0], [0, 0, 1, 0], [], []>, transpose_lhs_hint = false} : vector<1000x128xf32>, vector<512x128xf32>, vector<1000x512xf32> -> vector<1000x512xf32>
    %swap3A = arith.constant 0 : index
    %swap3A_6 = arith.constant 0 : index
    %swap3A_7 = vector.load %arg3[%swap3A, %swap3A_6] : memref<1000x512xf32, #tpu.memory_space<vmem>>, vector<1000x512xf32>
    tpu.vector_store %arg3[%swap3A, %swap3A_6], %dot_general3A_5 {strides = array<i32>} : memref<1000x512xf32, #tpu.memory_space<vmem>>, vector<1000x512xf32>,
    return
  }
  func.func @transform_0(%arg0: i32) -> (i32, i32) {
    %c0_i32 = arith.constant 0 : i32
    %c0_i32_0 = arith.constant 0 : i32
    return %arg0, %c0_i32 : i32, i32
  }
  func.func @transform_1(%arg0: i32) -> (i32, i32) {
    %c0_i32 = arith.constant 0 : i32
    %c0_i32_0 = arith.constant 0 : i32
    %c0_i32_1 = arith.constant 0 : i32
    return %c0_i32, %c0_i32_0 : i32, i32
  }
  func.func @transform_2(%arg0: i32) -> (i32, i32) {
    %c0_i32 = arith.constant 0 : i32
    %c0_i32_0 = arith.constant 0 : i32
    return %arg0, %c0_i32 : i32, i32
  }
}

module attributes {stable_mosaic.version = 14 : i64} {
  func.func @_mm_t_body(%arg0: i32, %arg1: memref<2000x16xf32, #tpu.memory_space<vmem>>, %arg2: memref<128x16xf32, #tpu.memory_space<vmem>>, %arg3: memref<2000x128xf32, #tpu.memory_space<vmem>>) attributes {dimension_semantics = [#tpu.dimension_semantics<arbitrary>], iteration_bounds = array<i64: 160>, scalar_prefetch = 0 : i64, scratch_operands = 0 : i64, tpu.core_type = #tpu.core_type<tc>, window_params = [{transform_indices = @transform_0, window_bounds = array<i64: 2000, 16>}, {pipeline_mode = #tpu.pipeline_mode<synchronous>, transform_indices = @transform_1, window_bounds = array<i64: 128, 16>}, {transform_indices = @transform_2, window_bounds = array<i64: 2000, 128>}]} {
    %get3A = arith.constant 0 : index
    %get3A_0 = arith.constant 0 : index
    %get3A_1 = vector.load %arg1[%get3A, %get3A_0] : memref<2000x16xf32, #tpu.memory_space<vmem>>, vector<2000x16xf32>
    %get3A_2 = arith.constant 0 : index
    %get3A_3 = arith.constant 0 : index
    %get3A_4 = vector.load %arg2[%get3A_2, %get3A_3] : memref<128x16xf32, #tpu.memory_space<vmem>>, vector<128x16xf32>
    %dot_general3A = arith.constant dense<0.000000e+00> : vector<2000x128xf32>
    %dot_general3A_5 = tpu.matmul %get3A_1, %get3A_4, %dot_general3A {dimension_numbers = #tpu.dot_dimension_numbers<[1], [1], [0], [0], [0, 0, 1, 0], [], []>, transpose_lhs_hint = false} : vector<2000x16xf32>, vector<128x16xf32>, vector<2000x128xf32> -> vector<2000x128xf32>
    %swap3A = arith.constant 0 : index
    %swap3A_6 = arith.constant 0 : index
    %swap3A_7 = vector.load %arg3[%swap3A, %swap3A_6] : memref<2000x128xf32, #tpu.memory_space<vmem>>, vector<2000x128xf32>
    tpu.vector_store %arg3[%swap3A, %swap3A_6], %dot_general3A_5 {strides = array<i32>} : memref<2000x128xf32, #tpu.memory_space<vmem>>, vector<2000x128xf32>,
    return
  }
  func.func @transform_0(%arg0: i32) -> (i32, i32) {
    %c0_i32 = arith.constant 0 : i32
    %c0_i32_0 = arith.constant 0 : i32
    return %arg0, %c0_i32 : i32, i32
  }
  func.func @transform_1(%arg0: i32) -> (i32, i32) {
    %c0_i32 = arith.constant 0 : i32
    %c0_i32_0 = arith.constant 0 : i32
    %c0_i32_1 = arith.constant 0 : i32
    return %c0_i32, %c0_i32_0 : i32, i32
  }
  func.func @transform_2(%arg0: i32) -> (i32, i32) {
    %c0_i32 = arith.constant 0 : i32
    %c0_i32_0 = arith.constant 0 : i32
    return %arg0, %c0_i32 : i32, i32
  }
}

module attributes {stable_mosaic.version = 14 : i64} {
  func.func @_mm_t_body(%arg0: i32, %arg1: memref<2000x128xf32, #tpu.memory_space<vmem>>, %arg2: memref<16x128xf32, #tpu.memory_space<vmem>>, %arg3: memref<2000x16xf32, #tpu.memory_space<vmem>>) attributes {dimension_semantics = [#tpu.dimension_semantics<arbitrary>], iteration_bounds = array<i64: 160>, scalar_prefetch = 0 : i64, scratch_operands = 0 : i64, tpu.core_type = #tpu.core_type<tc>, window_params = [{transform_indices = @transform_0, window_bounds = array<i64: 2000, 128>}, {pipeline_mode = #tpu.pipeline_mode<synchronous>, transform_indices = @transform_1, window_bounds = array<i64: 16, 128>}, {transform_indices = @transform_2, window_bounds = array<i64: 2000, 16>}]} {
    %get3A = arith.constant 0 : index
    %get3A_0 = arith.constant 0 : index
    %get3A_1 = vector.load %arg1[%get3A, %get3A_0] : memref<2000x128xf32, #tpu.memory_space<vmem>>, vector<2000x128xf32>
    %get3A_2 = arith.constant 0 : index
    %get3A_3 = arith.constant 0 : index
    %get3A_4 = vector.load %arg2[%get3A_2, %get3A_3] : memref<16x128xf32, #tpu.memory_space<vmem>>, vector<16x128xf32>
    %dot_general3A = arith.constant dense<0.000000e+00> : vector<2000x16xf32>
    %dot_general3A_5 = tpu.matmul %get3A_1, %get3A_4, %dot_general3A {dimension_numbers = #tpu.dot_dimension_numbers<[1], [1], [0], [0], [0, 0, 1, 0], [], []>, transpose_lhs_hint = false} : vector<2000x128xf32>, vector<16x128xf32>, vector<2000x16xf32> -> vector<2000x16xf32>
    %swap3A = arith.constant 0 : index
    %swap3A_6 = arith.constant 0 : index
    %swap3A_7 = vector.load %arg3[%swap3A, %swap3A_6] : memref<2000x16xf32, #tpu.memory_space<vmem>>, vector<2000x16xf32>
    tpu.vector_store %arg3[%swap3A, %swap3A_6], %dot_general3A_5 {strides = array<i32>} : memref<2000x16xf32, #tpu.memory_space<vmem>>, vector<2000x16xf32>,
    return
  }
  func.func @transform_0(%arg0: i32) -> (i32, i32) {
    %c0_i32 = arith.constant 0 : i32
    %c0_i32_0 = arith.constant 0 : i32
    return %arg0, %c0_i32 : i32, i32
  }
  func.func @transform_1(%arg0: i32) -> (i32, i32) {
    %c0_i32 = arith.constant 0 : i32
    %c0_i32_0 = arith.constant 0 : i32
    %c0_i32_1 = arith.constant 0 : i32
    return %c0_i32, %c0_i32_0 : i32, i32
  }
  func.func @transform_2(%arg0: i32) -> (i32, i32) {
    %c0_i32 = arith.constant 0 : i32
    %c0_i32_0 = arith.constant 0 : i32
    return %arg0, %c0_i32 : i32, i32
  }
}

module attributes {stable_mosaic.version = 14 : i64} {
  func.func @_final_body(%arg0: i32, %arg1: memref<1000x128xf32, #tpu.memory_space<vmem>>, %arg2: memref<1000x128xf32, #tpu.memory_space<vmem>>, %arg3: memref<2x1000x128xf32, #tpu.memory_space<vmem>>, %arg4: memref<2x1000x16xf32, #tpu.memory_space<vmem>>, %arg5: memref<1000x128xf32, #tpu.memory_space<vmem>>) attributes {dimension_semantics = [#tpu.dimension_semantics<arbitrary>], iteration_bounds = array<i64: 10>, scalar_prefetch = 0 : i64, scratch_operands = 0 : i64, tpu.core_type = #tpu.core_type<tc>, window_params = [{transform_indices = @transform_0, window_bounds = array<i64: 1000, 128>}, {transform_indices = @transform_1, window_bounds = array<i64: 1000, 128>}, {transform_indices = @transform_2, window_bounds = array<i64: 2, 1000, 128>}, {transform_indices = @transform_3, window_bounds = array<i64: 2, 1000, 16>}, {transform_indices = @transform_4, window_bounds = array<i64: 1000, 128>}]} {
    %get3A = arith.constant 0 : index
    %get3A_0 = arith.constant 0 : index
    %get3A_1 = arith.constant 0 : index
    %get3A_2 = vector.load %arg3[%get3A, %get3A_0, %get3A_1] : memref<2x1000x128xf32, #tpu.memory_space<vmem>>, vector<1x1000x128xf32>
    %get3A_3 = vector.shape_cast %get3A_2 : vector<1x1000x128xf32> to vector<1000x128xf32>
    %get3A_4 = arith.constant 1 : index
    %get3A_5 = arith.constant 0 : index
    %get3A_6 = arith.constant 0 : index
    %get3A_7 = vector.load %arg3[%get3A_4, %get3A_5, %get3A_6] : memref<2x1000x128xf32, #tpu.memory_space<vmem>>, vector<1x1000x128xf32>
    %get3A_8 = vector.shape_cast %get3A_7 : vector<1x1000x128xf32> to vector<1000x128xf32>
    %add3A = arith.addf %get3A_3, %get3A_8 : vector<1000x128xf32>
    %get3A_9 = arith.constant 0 : index
    %get3A_10 = arith.constant 0 : index
    %get3A_11 = arith.constant 0 : index
    %get3A_12 = vector.load %arg4[%get3A_9, %get3A_10, %get3A_11] : memref<2x1000x16xf32, #tpu.memory_space<vmem>>, vector<1x1000x16xf32>
    %get3A_13 = vector.shape_cast %get3A_12 : vector<1x1000x16xf32> to vector<1000x16xf32>
    %slice3A = vector.extract_strided_slice %get3A_13 {offsets = [0, 0], sizes = [1000, 1], strides = [1, 1]} : vector<1000x16xf32> to vector<1000x1xf32>
    %get3A_14 = arith.constant 1 : index
    %get3A_15 = arith.constant 0 : index
    %get3A_16 = arith.constant 0 : index
    %get3A_17 = vector.load %arg4[%get3A_14, %get3A_15, %get3A_16] : memref<2x1000x16xf32, #tpu.memory_space<vmem>>, vector<1x1000x16xf32>
    %get3A_18 = vector.shape_cast %get3A_17 : vector<1x1000x16xf32> to vector<1000x16xf32>
    %slice3A_19 = vector.extract_strided_slice %get3A_18 {offsets = [0, 0], sizes = [1000, 1], strides = [1, 1]} : vector<1000x16xf32> to vector<1000x1xf32>
    %add3A_20 = arith.addf %slice3A, %slice3A_19 : vector<1000x1xf32>
    %max3A = arith.constant 1.000000e+00 : f32
    %max3A_21 = vector.broadcast %max3A : f32 to vector<1000x1xf32>
    %max3A_22 = arith.maximumf %add3A_20, %max3A_21 : vector<1000x1xf32>
    %div3A = arith.constant 1.000000e+00 : f32
    %div3A_23 = vector.broadcast %div3A : f32 to vector<1000x1xf32>
    %div3A_24 = arith.divf %div3A_23, %max3A_22 : vector<1000x1xf32>
    %get3A_25 = arith.constant 0 : index
    %get3A_26 = arith.constant 0 : index
    %get3A_27 = vector.load %arg1[%get3A_25, %get3A_26] : memref<1000x128xf32, #tpu.memory_space<vmem>>, vector<1000x128xf32>
    %get3A_28 = arith.constant 0 : index
    %get3A_29 = arith.constant 0 : index
    %get3A_30 = vector.load %arg2[%get3A_28, %get3A_29] : memref<1000x128xf32, #tpu.memory_space<vmem>>, vector<1000x128xf32>
    %mul3A = vector.broadcast %div3A_24 : vector<1000x1xf32> to vector<1000x128xf32>
    %mul3A_31 = arith.mulf %add3A, %mul3A : vector<1000x128xf32>
    %add3A_32 = arith.addf %get3A_30, %mul3A_31 : vector<1000x128xf32>
    %mul3A_33 = arith.constant 0.00999999977 : f32
    %mul3A_34 = vector.broadcast %mul3A_33 : f32 to vector<1000x128xf32>
    %mul3A_35 = arith.mulf %mul3A_34, %add3A_32 : vector<1000x128xf32>
    %max3A_36 = arith.maximumf %add3A_32, %mul3A_35 : vector<1000x128xf32>
    %add3A_37 = arith.addf %get3A_27, %max3A_36 : vector<1000x128xf32>
    %swap3A = arith.constant 0 : index
    %swap3A_38 = arith.constant 0 : index
    %swap3A_39 = vector.load %arg5[%swap3A, %swap3A_38] : memref<1000x128xf32, #tpu.memory_space<vmem>>, vector<1000x128xf32>
    tpu.vector_store %arg5[%swap3A, %swap3A_38], %add3A_37 {strides = array<i32>} : memref<1000x128xf32, #tpu.memory_space<vmem>>, vector<1000x128xf32>,
    return
  }
  func.func @transform_0(%arg0: i32) -> (i32, i32) {
    %c0_i32 = arith.constant 0 : i32
    %c0_i32_0 = arith.constant 0 : i32
    return %arg0, %c0_i32 : i32, i32
  }
  func.func @transform_1(%arg0: i32) -> (i32, i32) {
    %c0_i32 = arith.constant 0 : i32
    %c0_i32_0 = arith.constant 0 : i32
    return %arg0, %c0_i32 : i32, i32
  }
  func.func @transform_2(%arg0: i32) -> (i32, i32, i32) {
    %c0_i32 = arith.constant 0 : i32
    %c0_i32_0 = arith.constant 0 : i32
    %c0_i32_1 = arith.constant 0 : i32
    return %c0_i32, %arg0, %c0_i32_0 : i32, i32, i32
  }
  func.func @transform_3(%arg0: i32) -> (i32, i32, i32) {
    %c0_i32 = arith.constant 0 : i32
    %c0_i32_0 = arith.constant 0 : i32
    %c0_i32_1 = arith.constant 0 : i32
    return %c0_i32, %arg0, %c0_i32_0 : i32, i32, i32
  }
  func.func @transform_4(%arg0: i32) -> (i32, i32) {
    %c0_i32 = arith.constant 0 : i32
    %c0_i32_0 = arith.constant 0 : i32
    return %arg0, %c0_i32 : i32, i32
  }
}

</mosaic_0001>

<sc_bundles>
// kernel: kernel.7.cloned.1.call-start
scs
__scs_entry_jumppad:
0x0: {  	(pc) =	sbr.rel $0x88, $3  }
0x1: {  	(tag) =	ssettag $0x0;
	lr =	simm.s32 $0x1  }
0x2: {  	[smem:$0x3F98] =	sst lr;
	_ =	strace $0xD0000000  }
0x3: {  	_ = 	snop  }
0x4: {  	_ = 	snop  }
0x5: {  	_ = 	snop  }
0x6: {  	_ = 	snop  }
0x7: {  	_ = 	snop  }
__scs_overlays_trampoline_lowered:
0x8: {  	[smem:$0x3FA7] =	sst s0  }
0x9: {  	[smem:$0x3FA8] =	sst s1  }
0xa: {  	[smem:$0x3FA9] =	sst s2  }
0xb: {  	[smem:$0x3FAA] =	sst s3  }
0xc: {  	[smem:$0x3FAB] =	sst s4  }
0xd: {  	[smem:$0x3FAC] =	sst s5  }
0xe: {  	[smem:$0x3FAD] =	sst s6  }
0xf: {  	[smem:$0x3FAE] =	sst s7  }
0x10: {  	[smem:$0x3FAF] =	sst s8  }
0x11: {  	[smem:$0x3FB0] =	sst s9;
	s0 =	simm.s32 @!p0 $0x0  }
0x12: {  	s1 =	sld [smem:$0x3F96];
	s0 =	simm.s32 @p0 $0x1  }
0x13: {  	[smem:$0x3FB1] =	sst s0;
	s0 =	simm.s32 @!p1 $0x0  }
0x14: {  	s2 =	sld [smem:$0x3F95];
	s0 =	simm.s32 @p1 $0x1  }
0x15: {  	[smem:$0x3FB2] =	sst s0;
	s0 =	simm.s32 @!p2 $0x0  }
0x16: {  	s3 =	sld [smem:$0x3FDB];
	s0 =	simm.s32 @p2 $0x1  }
0x17: {  	s4 =	simm.s32 $0x1BF5;
	[smem:$0x3FB4] =	sst s0  }
0x18: {  	s0 =	sld [smem:$0x3F97];
	_ =	swait.ge [sflag:s4], $0x0  }
0x19: {  	s7 =	sld [smem:$0x3F98]  }
0x1a: {  	s8 =	sadd.s32 $0xFFFFE003, lr  }
0x1b: {  	s9 =	sadd.s32 $0xFFFFFEF7, lr;
	s5 =	simm.s32 $0xFFFFFFFF;
	p2 =	slt.u32 s8, $0xFFFFF086  }
0x1c: {  	p1 =	slt.u32 s9, $0xF7A;
	s5 =	simm.s32 @!p2 $0x0  }
0x1d: {  	s5 =	simm.s32 @p1 $0x1;
	p0 =	seq.s32 s7, s2  }
0x1e: {  	s7 =	smul.u32 @!p0 $0xF7A, s2;
	p2 =	seq.s32 @!p0 s5, $0x0  }
0x1f: {  	s9 =	smul.u32 $0xF7A, s1;
	s8 =	simm.s32 @!p0 $0x1BF5;
	p2 =	por !p2, p0  }
0x20: {  	[sflag:s8] =	ssyncset.s32 @!p0 $0xFFFFF086;
	s6 =	sadd.s32 @!p0 s3, s7;
	s7 =	simm.s32 @!p0 $0x108  }
0x21: {  	s3 =	sadd.s32 s3, s9;
	s6 =	sadd.s32 @!p0 $0x88, s6;
	s7 =	simm.s32 @p2 $0x1082  }
0x22: {  	[simem:s7], [sflag:s8] =	dma.local @!p0 [hbm:s6], $0xF7A  }
0x23: {  	s9 =	sor.u32 $0xD0000000, s2;
	s6 =	simm.s32 $0x108;
	_ =	swait.ge @!p0 [sflag:s8], $0x0  }
0x24: {  	s3 =	sadd.s32 $0x88, s3;
	s6 =	simm.s32 @!p1 $0x1082;
	[sflag:s4] =	ssyncset.s32 $0xFFFFF086  }
0x25: {  	[simem:s6], [sflag:s4] =	dma.local [hbm:s3], $0xF7A  }
0x26: {  	[smem:$0x3F98] =	sst s1;
	(tag) =	ssettag s2;
	_ =	strace s9  }
0x27: {  	s1 =	sld [smem:$0x3FA8]  }
0x28: {  	s2 =	sld [smem:$0x3FA9]  }
0x29: {  	s4 =	sld [smem:$0x3FAB]  }
0x2a: {  	p0 =	seq.s32 s5, $0x0;
	s5 =	sld [smem:$0x3FAC]  }
0x2b: {  	s6 =	sld [smem:$0x3FAD]  }
0x2c: {  	s7 =	sld [smem:$0x3FAE]  }
0x2d: {  	s3 =	simm.s32 $0x108;
	s8 =	sld [smem:$0x3FAF]  }
0x2e: {  	s3 =	simm.s32 @!p0 $0x1082;
	s9 =	sld [smem:$0x3FB0]  }
0x2f: {  	lr =	sadd.s32 s0, s3;
	s0 =	sld [smem:$0x3FA7]  }
0x30: {  	s3 =	sld [smem:$0x3FAA]  }
0x31: {  	[smem:$0x3FB3] =	sst s10  }
0x32: {  	s10 =	sld [smem:$0x3FB1];
	_ =	sdelay $0x3  }
0x33: {  	p0 =	seq.s32 s10, $0x1;
	s10 =	sld [smem:$0x3FB3];
	_ =	sdelay $0x3  }
0x34: {  	[smem:$0x3FB3] =	sst s10  }
0x35: {  	s10 =	sld [smem:$0x3FB2];
	_ =	sdelay $0x3  }
0x36: {  	p1 =	seq.s32 s10, $0x1;
	s10 =	sld [smem:$0x3FB3];
	_ =	sdelay $0x3  }
0x37: {  	[smem:$0x3FB3] =	sst s10  }
0x38: {  	s10 =	sld [smem:$0x3FB4]  }
0x39: {  	_ = 	snop;
	(pc) =	sbr.ind lr, $3  }
0x3a: {  	_ = 	snop  }
0x3b: {  	_ = 	snop  }
0x3c: {  	p2 =	seq.s32 s10, $0x1;
	s10 =	sld [smem:$0x3FB3]  }
0x3d: {  	_ =	shalt  }
0x3e: {  	_ =	shalt  }
0x3f: {  	_ =	shalt  }
0x40: {  	_ =	shalt  }
0x41: {  	_ =	shalt  }
0x42: {  	_ =	shalt  }
0x43: {  	_ =	shalt  }
0x44: {  	_ =	shalt  }
0x45: {  	_ =	shalt  }
0x46: {  	_ =	shalt  }
0x47: {  	_ =	shalt  }
0x48: {  	_ =	shalt  }
0x49: {  	_ =	shalt  }
0x4a: {  	_ =	shalt  }
0x4b: {  	_ =	shalt  }
0x4c: {  	_ =	shalt  }
0x4d: {  	_ =	shalt  }
0x4e: {  	_ =	shalt  }
0x4f: {  	_ =	shalt  }
0x50: {  	_ =	shalt  }
0x51: {  	_ =	shalt  }
0x52: {  	_ =	shalt  }
0x53: {  	_ =	shalt  }
0x54: {  	_ =	shalt  }
0x55: {  	_ =	shalt  }
0x56: {  	_ =	shalt  }
0x57: {  	_ =	shalt  }
0x58: {  	_ =	shalt  }
0x59: {  	_ =	shalt  }
0x5a: {  	_ =	shalt  }
0x5b: {  	_ =	shalt  }
0x5c: {  	_ =	shalt  }
0x5d: {  	_ =	shalt  }
0x5e: {  	_ =	shalt  }
0x5f: {  	_ =	shalt  }
0x60: {  	_ =	shalt  }
0x61: {  	_ =	shalt  }
0x62: {  	_ =	shalt  }
0x63: {  	_ =	shalt  }
0x64: {  	_ =	shalt  }
0x65: {  	_ =	shalt  }
0x66: {  	_ =	shalt  }
0x67: {  	_ =	shalt  }
0x68: {  	_ =	shalt  }
0x69: {  	_ =	shalt  }
0x6a: {  	_ =	shalt  }
0x6b: {  	_ =	shalt  }
0x6c: {  	_ =	shalt  }
0x6d: {  	_ =	shalt  }
0x6e: {  	_ =	shalt  }
0x6f: {  	_ =	shalt  }
0x70: {  	_ =	shalt  }
0x71: {  	_ =	shalt  }
0x72: {  	_ =	shalt  }
0x73: {  	_ =	shalt  }
0x74: {  	_ =	shalt  }
0x75: {  	_ =	shalt  }
0x76: {  	_ =	shalt  }
0x77: {  	_ =	shalt  }
0x78: {  	_ =	shalt  }
0x79: {  	_ =	shalt  }
0x7a: {  	_ =	shalt  }
0x7b: {  	_ =	shalt  }
0x7c: {  	_ =	shalt  }
0x7d: {  	_ =	shalt  }
0x7e: {  	_ =	shalt  }
0x7f: {  	_ =	shalt  }
0x80: {  	_ =	shalt  }
0x81: {  	_ =	shalt  }
0x82: {  	_ =	shalt  }
0x83: {  	_ =	shalt  }
0x84: {  	_ =	shalt  }
0x85: {  	_ =	shalt  }
0x86: {  	_ =	shalt  }
0x87: {  	_ =	shalt  }
.Lfunc_end0:
.L_simem_size_0:
called_computation_lowered:
.L_overlay_start_0:
0x88: {  	s2 =	sld [smem:$0x3FD9]  }
0x89: {  	s3 =	sld [smem:$0x3FFE];
	_ =	sdelay $0x1  }
0x8a: {  	s1 =	srdreg.scid  }
0x8b: {  	s0 =	sand.u32 $0x1, s1  }
0x8c: {  	s14 =	sshll.u32 s0, $0xA;
	s2 =	sadd.s32 s3, s2  }
0x8d: {  	s2 =	sadd.s32 s2, s14  }
0x8e: {  	[smem:$0x3FBF] =	sst s2  }
0x8f: {  	_ = 	snop  }
0x90: {  	s2 =	sld [smem:$0x3FD0];
	_ =	sdelay $0x2  }
0x91: {  	s15 =	simm.s32 $0xA;
	s4 =	simm.s32 $0x10  }
0x92: {  	[smem:s4], [sflag:s15] =	dma.local [hbm:s2], $0x1  }
0x93: {  	_ =	swait.eq [sflag:s15], $0x1  }
0x94: {  	[sflag:s15] =	ssyncset.done $0x0  }
0x95: {  	s16 =	sld [smem:$0x10];
	[sflag:s15] =	ssyncadd.s32 $0xFFFFFFFF  }
0x96: {  	s17 =	sld [smem:$0x11];
	(tm) =	ssettm $0x1  }
0x97: {  	s18 =	sld [smem:$0x3FFB];
	_ =	sdelay $0x3  }
0x98: {  	_ =	strace s18  }
0x99: {  	s4 =	sld [smem:$0x3FFC];
	_ =	sdelay $0x3  }
0x9a: {  	_ =	strace s4  }
0x9b: {  	s4 =	sld [smem:$0x3FFD];
	_ =	sdelay $0x3  }
0x9c: {  	_ =	strace s4  }
0x9d: {  	_ =	strace $0x8FFFFFFF  }
0x9e: {  	s19 =	sld [smem:$0x3FDB];
	_ =	sdelay $0x1  }
0x9f: {  	s5 =	simm.s32 $_scs_section_size  }
0xa0: {  	s6 =	simm.s32 $_size__tile_overlayer_lowered;
	s7 =	simm.s32 $_tile_overlayer_lowered  }
0xa1: {  	s22 =	simm.s32 $0x1BFF;
	s21 =	sshll.u32 s7, $0x1;
	s4 =	sadd.s32 s5, s19  }
0xa2: {  	s8 =	simm.s32 $0x0;
	s20 =	sshll.u32 s6, $0x1;
	s6 =	sadd.s32 s21, s4  }
0xa3: {  	[timem:s8], [sflag:s22] =	dma.local [hbm:s6], s20  }
0xa4: {  	_ =	swait.ge [sflag:s22], s20  }
0xa5: {  	s5 =	ssub.s32 $0x0, s20;
	[sflag:s22] =	ssyncset.done $0x0  }
0xa6: {  	[sflag:s22] =	ssyncadd.s32 s5;
	_ =	sdelay $0x1  }
0xa7: {  	s23 =	simm.s32 $0x1B8B  }
0xa8: {  	_ =	swait.ge [sflag:s23], $0x1  }
0xa9: {  	[sflag:s23] =	ssyncset.done $0x0  }
0xaa: {  	s25 =	simm.s32 $0x1B8E;
	s24 =	sld [smem:$0x3FFE];
	[sflag:s23] =	ssyncadd.s32 $0xFFFFFFFF  }
0xab: {  	s26 =	simm.s32 $execute0_lowered;
	[smem:$0x3FD2] =	sst s25  }
0xac: {  	s6 =	sshll.u32 s26, $0x1;
	_ =	strace $0x80000046;
	[dreg:$0x1] =	wrdreg $0xFFFFFFFF  }
0xad: {  	s28 =	simm.s32 $_size_execute0_lowered;
	s4 =	sadd.s32 s4, s6;
	[dreg:$0x0] =	wrdreg $0x0  }
0xae: {  	s6 =	sshll.u32 s28, $0x1;
	[dreg:$0x2] =	wrdreg s4  }
0xaf: {  	[dreg:$0x3] =	wrdreg s6  }
0xb0: {  	[dreg:$0x4] =	wrdreg $0xC0  }
0xb1: {  	_ =	task [dreg:s8], $0x5FFFF  }
0xb2: {  	[dreg:$0x1] =	wrdreg $0xFFFFFFFF  }
0xb3: {  	[dreg:$0x0] =	wrdreg $0x60  }
0xb4: {  	[dreg:$0x2] =	wrdreg s24  }
0xb5: {  	[dreg:$0x3] =	wrdreg s16  }
0xb6: {  	[dreg:$0x4] =	wrdreg s17  }
0xb7: {  	[dreg:$0x5] =	wrdreg $0x7B200  }
0xb8: {  	[dreg:$0x6] =	wrdreg $0x1B3A00  }
0xb9: {  	[dreg:$0x7] =	wrdreg $0x9  }
0xba: {  	_ =	task.clear_ibuf [dreg:s8], $0x8FFFF;
	_ =	strace $0x90000046  }
0xbb: {  	s29 =	simm.s32 $0x9;
	_ =	strace $0x80000048  }
0xbc: {  	_ =	swait.ge [sflag:s29], $0x1  }
0xbd: {  	[sflag:s29] =	ssyncadd.s32 $0xFFFFFFFF  }
0xbe: {  	_ =	strace $0x90000048  }
0xbf: {  	_ =	sfence  }
0xc0: {  	s30 =	sld [smem:$0x0];
	_ =	sdelay $0x2  }
0xc1: {  	s31 =	sshll.u32 s1, $0xD;
	s1 =	sshrl.u32 s1, $0x2  }
0xc2: {  	s3 =	sand.u32 $0x4000, s31;
	s1 =	sadd.s32 s1, s30  }
0xc3: {  	s0 =	sor.u32 s3, s0;
	s1 =	sshll.u32 s1, $0x11  }
0xc4: {  	s0 =	sor.u32 s1, s0  }
0xc5: {  	s0 =	sadd.s32 $0x8F2B, s0  }
0xc6: {  	[sflag:s0] =	ssyncadd.remote.s32 $0x1  }
0xc7: {  	_ =	sfence.sel $0xFFFF  }
0xc8: {  	[dreg:$0x0] =	wrdreg $0xFFFFFFFF;
	(pc) =	sbr.abs _section_cstart, $3  }
0xc9: {  	[dreg:$0x1] =	wrdreg $0xFFFFFFFF  }
0xca: {  	_ =	task.clear_ibuf [dreg:s8], $0x2FFFF;
	_ =	strace $0x9FFFFFFF  }
0xcb: {  	(tm) =	ssettm $0x7FFFFFFF  }
tec
execute0_lowered:
.L_overlay_start_1:
0x0: {  	(tag) =	ssettag $0x1  }
0x1: {  	s0 =	rddreg [dreg:$0x0]  }
0x2: {  	s16 =	rddreg [dreg:$0x1]  }
0x3: {  	s1 =	rddreg [dreg:$0x2]  }
0x4: {  	s17 =	rddreg [dreg:$0x3]  }
0x5: {  	s18 =	rddreg [dreg:$0x4];
	s4 =	simm.s32 $0x0  }
0x6: {  	s19 =	stileid.u32;
	s3 =	srdreg.scid;
	s28 =	simm.s32 $0xB  }
0x7: {  	s29 =	simm.s32 $0x50;
	s30 =	simm.s32 $0x28;
	[smem:$0x7FF] =	sst s4  }
0x8: {  	s6 =	sadd.s32 $0x17000, s0;
	s2 =	smul.u32 $0x3E80, s19;
	s7 =	sadd.s32 $0x56E600, s0  }
0x9: {  	s8 =	sadd.s32 $0xD200, s0;
	s3 =	sand.u32 $0x1, s3;
	s9 =	sadd.s32 $0x3400, s0  }
0xa: {  	s10 =	sadd.s32 $0xA50600, s0;
	s13 =	sshll.u32 s19, $0x1;
	s14 =	smul.u32 $0x1F400, s19  }
0xb: {  	p1 =	sgt.u32 s19, $0x9;
	p0 =	sne.s32 s19, $0x0;
	s11 =	smul.u32 $0x27100, s3  }
0xc: {  	s19 =	simm.s32 $0x5;
	_ =	strace $0x80000047;
	s12 =	smul.u32 $0x4E20, s3  }
0xd: {  	s26 =	ssub.s32 $0x2, s3;
	s3 =	sor.u32 s3, s13;
	s5 =	sshrl.u32 s2, $0x3  }
0xe: {  	s31 =	sshrl.u32 s26, $0x1;
	s20 =	smul.u32 $0x2710, s3;
	s15 =	sshrl.u32 s14, $0x3  }
0xf: {  	s13 =	sadd.s32 s14, s17;
	s3 =	smul.u32 $0x27100, s3;
	s14 =	simm.s32 $0x6  }
0x10: {  	s5 =	sadd.s32 s5, s0;
	s11 =	sadd.s32 s11, s0;
	s0 =	sadd.s32 s12, s0  }
0x11: {  	s12 =	ssub.s32 s26, s31;
	s1 =	sadd.s32 s1, s15;
	s15 =	smov.u32 s16  }
0x12: {  	[dreg:$0x6] =	wrdreg s1;
	s1 =	sadd.s32 s2, s18;
	s5 =	sadd.s32 $0x8C600, s5  }
0x13: {  	s16 =	sshrl.u32 s20, $0x3;
	s21 =	sadd.s32 s7, s3;
	[dreg:$0x7] =	wrdreg s5  }
0x14: {  	s18 =	sadd.s32 $0x28, s20;
	s24 =	sadd.s32 $0x50, s20;
	[dreg:$0xb] =	wrdreg s21  }
0x15: {  	s25 =	sadd.s32 $0x9B400, s11;
	s0 =	sadd.s32 $0x91600, s0;
	[dreg:$0x9] =	wrdreg s18  }
0x16: {  	s26 =	smax.u32 s12, $0x1;
	s31 =	sadd.s32 $0x78, s20;
	[dreg:$0xe] =	wrdreg s24  }
0x17: {  	s12 =	simm.s32 $0x78;
	s17 =	sadd.s32 s8, s16;
	[dreg:$0xf] =	wrdreg s25  }
0x18: {  	s2 =	sadd.s32 s9, s16;
	s22 =	sshrl.u32 s18, $0x3;
	[dreg:$0x10] =	wrdreg s0  }
0x19: {  	[dreg:$0x11] =	wrdreg s26;
	s0 =	sshrl.u32 @!p1 s13, $0x3;
	s26 =	smov.u32 s20  }
0x1a: {  	[dreg:$0x14] =	wrdreg s31;
	s5 =	simm.s32 $0x50A0;
	s13 =	simm.s32 $0x2  }
0x1b: {  	s18 =	simm.s32 $0x3;
	s21 =	simm.s32 $0x7;
	[dreg:$0x8] =	wrdreg s17  }
0x1c: {  	s24 =	simm.s32 $0x9;
	s25 =	simm.s32 $0x4;
	[dreg:$0xa] =	wrdreg s2  }
0x1d: {  	s16 =	simm.s32 $0x8;
	s23 =	sadd.s32 s8, s22;
	[dreg:$0x12] =	wrdreg s0  }
0x1e: {  	s2 =	sadd.s32 s9, s22;
	s0 =	sshrl.u32 @!p1 s1, $0x3;
	[dreg:$0xc] =	wrdreg s23  }
0x1f: {  	s17 =	simm.s32 $0x64A0;
	s22 =	simm.s32 $0x78A0;
	[dreg:$0xd] =	wrdreg s2  }
0x20: {  	v0 =	vimm.f32 $1.000000000e+00;
	[dreg:$0x13] =	wrdreg s0;
	s23 =	simm.s32 $0x1;
	s2 =	simm.s32 $0x0  }
.LBB2_1:
0x21: {  	[dreg:$0x15] =	wrdreg s2;
	s0 =	stileid.u32  }
0x22: {  	s1 =	rddreg [dreg:$0x6];
	s0 =	sshll.u32 @!p1 s0, $0x6  }
0x23: {  	s2 =	rddreg [dreg:$0x12];
	s0 =	sor.u32 @!p1 $0x1C0B, s0  }
0x24: {  	[spmem:s2], [sflag:s0] =	dma.local @!p1 [hbm:s1], $0x3E80  }
0x25: {  	s1 =	simm.s32 @!p1 $0xB  }
0x26: {  	_ =	swait.ge @!p1 [sflag:s1], $0x3E80  }
0x27: {  	[sflag:s1] =	ssyncset.done @!p1 $0x0;
	s2 =	rddreg [dreg:$0x7]  }
0x28: {  	s3 =	rddreg [dreg:$0x13];
	[sflag:s1] =	ssyncadd.s32 @!p1 $0xFFFFC180  }
0x29: {  	[spmem:s3], [sflag:s0] =	dma.local @!p1 [hbm:s2], $0x7D0  }
0x2a: {  	_ =	swait.ge @!p1 [sflag:s1], $0x7D0  }
0x2b: {  	[sflag:s1] =	ssyncset.done @!p1 $0x0  }
0x2c: {  	[sflag:s1] =	ssyncadd.s32 @!p1 $0xFFFFF830  }
0x2d: {  	[tilespmem:$0x78A0] =	vst v0  }
0x2e: {  	[tilespmem:$0x78B0] =	vst v0  }
0x2f: {  	[tilespmem:$0x78C0] =	vst v0  }
0x30: {  	[tilespmem:$0x78D0] =	vst v0  }
0x31: {  	[tilespmem:$0x78E0] =	vst v0  }
0x32: {  	[tilespmem:$0x78F0] =	vst v0  }
0x33: {  	[tilespmem:$0x7900] =	vst v0  }
0x34: {  	[tilespmem:$0x7910] =	vst v0  }
0x35: {  	[tilespmem:$0x7920] =	vst v0  }
0x36: {  	[tilespmem:$0x7930] =	vst v0  }
0x37: {  	[tilespmem:$0x7940] =	vst v0  }
0x38: {  	[tilespmem:$0x7950] =	vst v0  }
0x39: {  	[tilespmem:$0x7960] =	vst v0  }
0x3a: {  	[tilespmem:$0x7970] =	vst v0  }
0x3b: {  	[tilespmem:$0x7980] =	vst v0  }
0x3c: {  	[tilespmem:$0x7990] =	vst v0  }
0x3d: {  	[tilespmem:$0x79A0] =	vst v0  }
0x3e: {  	[tilespmem:$0x79B0] =	vst v0  }
0x3f: {  	[tilespmem:$0x79C0] =	vst v0  }
0x40: {  	[tilespmem:$0x79D0] =	vst v0  }
0x41: {  	[tilespmem:$0x79E0] =	vst v0  }
0x42: {  	[tilespmem:$0x79F0] =	vst v0  }
0x43: {  	[tilespmem:$0x7A00] =	vst v0  }
0x44: {  	[tilespmem:$0x7A10] =	vst v0  }
0x45: {  	[tilespmem:$0x7A20] =	vst v0  }
0x46: {  	[tilespmem:$0x7A30] =	vst v0  }
0x47: {  	[tilespmem:$0x7A40] =	vst v0  }
0x48: {  	[tilespmem:$0x7A50] =	vst v0  }
0x49: {  	[tilespmem:$0x7A60] =	vst v0  }
0x4a: {  	[tilespmem:$0x7A70] =	vst v0  }
0x4b: {  	[tilespmem:$0x7A80] =	vst v0  }
0x4c: {  	[tilespmem:$0x7A90] =	vst v0  }
0x4d: {  	[tilespmem:$0x7AA0] =	vst v0  }
0x4e: {  	[tilespmem:$0x7AB0] =	vst v0  }
0x4f: {  	[tilespmem:$0x7AC0] =	vst v0  }
0x50: {  	[tilespmem:$0x7AD0] =	vst v0  }
0x51: {  	[tilespmem:$0x7AE0] =	vst v0  }
0x52: {  	[tilespmem:$0x7AF0] =	vst v0  }
0x53: {  	[tilespmem:$0x7B00] =	vst v0  }
0x54: {  	s11 =	rddreg [dreg:$0x8];
	[tilespmem:$0x7B10] =	vst v0  }
0x55: {  	[tilespmem:s4], [sflag:$0xB] =	stream.linear.gather [hbm4b:s11+s4], $0x28, $0x38;
	[tilespmem:$0x1DAB0] =	vst v63  }
0x56: {  	_ =	swait.ge [sflag:s28], $0x28  }
0x57: {  	[sflag:s28] =	ssyncset.done $0x0  }
0x58: {  	s20 =	rddreg [dreg:$0xa];
	[sflag:s28] =	ssyncadd.s32 $0xFFFFFFD8  }
0x59: {  	[tilespmem:s29], [sflag:$0xB] =	stream.linear.gather [hbm4b:s20+s4], $0x28, $0x38;
	[tilespmem:$0x1DAB0] =	vst v63  }
0x5a: {  	_ =	swait.ge [sflag:s28], $0x28  }
0x5b: {  	[sflag:s28] =	ssyncset.done $0x0  }
0x5c: {  	s1 =	simm.s32 $0xA0;
	[sflag:s28] =	ssyncadd.s32 $0xFFFFFFD8  }
0x5d: {  	[tilespmem:s1], [sflag:$0x3] =	stream.indirect.gather [hbm4b:s6+s30], $0x80, s4, s30, $0xb8;
	[tilespmem:$0x1DAB0] =	vst v63  }
0x5e: {  	s2 =	simm.s32 $0x28A0  }
0x5f: {  	[tilespmem:s2], [sflag:$0x5] =	stream.indirect.gather [hbm4b:s15+s30], $0x80, s29, s30, $0xb8;
	[tilespmem:$0x1DAB0] =	vst v63  }
0x60: {  	s3 =	rddreg [dreg:$0xb]  }
0x61: {  	[tilespmem:s5], [sflag:$0x7] =	stream.linear.gather [hbm4b:s3+s4], $0x1400, $0x38;
	[tilespmem:$0x1DAB0] =	vst v63  }
0x62: {  	s11 =	rddreg [dreg:$0xc]  }
0x63: {  	[tilespmem:s30], [sflag:$0x2] =	stream.linear.gather [hbm4b:s11+s4], $0x28, $0x38;
	[tilespmem:$0x1DAB0] =	vst v63  }
0x64: {  	s20 =	rddreg [dreg:$0xd]  }
0x65: {  	[tilespmem:s12], [sflag:$0x2] =	stream.linear.gather [hbm4b:s20+s4], $0x28, $0x38;
	[tilespmem:$0x1DAB0] =	vst v63  }
0x66: {  	s31 =	simm.s32 $0x0;
	[bflag:$0x0] =	sbarrier.arrive $0xFFFF  }
.LBB2_2:
0x67: {  	_ =	swait.ge [sflag:s13], $0x28  }
0x68: {  	[sflag:s13] =	ssyncset.done $0x0  }
0x69: {  	[sflag:s13] =	ssyncadd.s32 $0xFFFFFFD8  }
0x6a: {  	_ =	swait.ge [sflag:s13], $0x28  }
0x6b: {  	p2 =	seq.s32 s31, $0x0;
	[sflag:s13] =	ssyncset.done $0x0  }
0x6c: {  	s0 =	simm.s32 @!p2 $0xA;
	[sflag:s13] =	ssyncadd.s32 $0xFFFFFFD8  }
0x6d: {  	_ =	swait.ge @!p2 [sflag:s0], $0x1400  }
0x6e: {  	[sflag:s0] =	ssyncset.done @!p2 $0x0  }
0x6f: {  	s3 =	simm.s32 $0x14A0;
	[sflag:s0] =	ssyncadd.s32 @!p2 $0xFFFFEC00  }
0x70: {  	[tilespmem:s3], [sflag:$0x4] =	stream.indirect.gather [hbm4b:s6+s30], $0x80, s30, s30, $0xb8;
	[tilespmem:$0x1DAB0] =	vst v63  }
0x71: {  	s2 =	smul.u32 $0x50, s31;
	s11 =	simm.s32 $0x3CA0  }
0x72: {  	[tilespmem:s11], [sflag:$0x6] =	stream.indirect.gather [hbm4b:s15+s30], $0x80, s12, s30, $0xb8;
	[tilespmem:$0x1DAB0] =	vst v63  }
0x73: {  	s20 =	smov.u32 s15;
	s15 =	rddreg [dreg:$0x9]  }
0x74: {  	s0 =	sadd.s32 s15, s2  }
0x75: {  	s0 =	sshll.u32 s0, $0x4  }
0x76: {  	s0 =	sand.u32 $0x1FFFFF80, s0  }
0x77: {  	s3 =	simm.s32 $0x0;
	s1 =	sadd.s32 s7, s0  }
0x78: {  	[tilespmem:s17], [sflag:$0x8] =	stream.linear.gather [hbm4b:s1+s3], $0x1400, $0x38;
	[tilespmem:$0x1DAB0] =	vst v63  }
0x79: {  	_ =	swait.ge [sflag:s18], $0x1400  }
0x7a: {  	[sflag:s18] =	ssyncset.done $0x0  }
0x7b: {  	[sflag:s18] =	ssyncadd.s32 $0xFFFFEC00  }
0x7c: {  	_ =	swait.ge [sflag:s19], $0x1400  }
0x7d: {  	[sflag:s19] =	ssyncset.done $0x0  }
0x7e: {  	[sflag:s19] =	ssyncadd.s32 $0xFFFFEC00  }
0x7f: {  	_ =	swait.ge [sflag:s21], $0x1400  }
0x80: {  	[sflag:s21] =	ssyncset.done $0x0  }
0x81: {  	s3 =	simm.s32 $0x0;
	[sflag:s21] =	ssyncadd.s32 $0xFFFFEC00  }
0x82: {  	v11 =	vld [tilespmem:s3+$0x28A0]  }
0x83: {  	v14 =	vld [tilespmem:s3+$0x28B0]  }
0x84: {  	v4 =	vld [tilespmem:s3+$0x28C0]  }
0x85: {  	v3 =	vld [tilespmem:s3+$0x28D0]  }
0x86: {  	v2 =	vld [tilespmem:s3+$0x28E0]  }
0x87: {  	v1 =	vld [tilespmem:s3+$0x28F0]  }
0x88: {  	v12 =	vld [tilespmem:s3+$0xA0]  }
0x89: {  	v13 =	vld [tilespmem:s3+$0xB0]  }
0x8a: {  	v10 =	vld [tilespmem:s3+$0xC0]  }
0x8b: {  	v9 =	vld [tilespmem:s3+$0xD0]  }
0x8c: {  	v8 =	vld [tilespmem:s3+$0xE0]  }
0x8d: {  	v6 =	vld [tilespmem:s3+$0xF0]  }
0x8e: {  	v17 =	vld [tilespmem:s3+$0x50A0]  }
0x8f: {  	v18 =	vld [tilespmem:s3+$0x50B0]  }
0x90: {  	v7 =	vld [tilespmem:s3+$0x100]  }
0x91: {  	v5 =	vld [tilespmem:s3+$0x110]  }
0x92: {  	v16 =	vld [tilespmem:s3+$0x50C0]  }
0x93: {  	v15 =	vld [tilespmem:s3+$0x50D0];
	v17 =	vadd.f32 v12, v17  }
0x94: {  	v18 =	vadd.f32 v13, v18;
	v13 =	vld [tilespmem:s3+$0x50E0]  }
0x95: {  	v12 =	vld [tilespmem:s3+$0x50F0];
	v17 =	vadd.f32 v11, v17  }
0x96: {  	s11 =	simm.s32 $0x200;
	s1 =	sshll.u32 s31, $0x1;
	v14 =	vadd.f32 v14, v18;
	v11 =	vld [tilespmem:s3+$0x5100]  }
.LBB2_3:
0x97: {  	p2 =	sne.s32 s11, $0x4E00;
	v18 =	vmul.f32 $9.999999770e-03, v17;
	v10 =	vadd.f32 v10, v16;
	v16 =	vld [tilespmem:s3+$0x5110]  }
0x98: {  	v19 =	vmul.f32 $9.999999770e-03, v14;
	v9 =	vadd.f32 v9, v15;
	v15 =	vld [tilespmem:s3+$0x2900]  }
0x99: {  	s15 =	sshra.s32 s11, $0x2;
	v17 =	vmax.f32 v17, v18;
	v10 =	vadd.f32 v4, v10;
	v4 =	vadd.f32 v8, v13;
	v8 =	vld [tilespmem:s3+$0x2910]  }
0x9a: {  	v18 =	vld [tilespmem:s15+$0x28A0];
	v13 =	vmax.f32 v14, v19;
	v9 =	vadd.f32 v3, v9;
	v3 =	vadd.f32 v6, v12  }
0x9b: {  	v14 =	vld [tilespmem:s15+$0x28B0];
	v6 =	vmul.f32 $9.999999770e-03, v10;
	v12 =	vadd.f32 v2, v4;
	v2 =	vadd.f32 v7, v11  }
0x9c: {  	v4 =	vld [tilespmem:s15+$0x28C0];
	[tilespmem:s3+$0x50A0] =	vst v17;
	v7 =	vmul.f32 $9.999999770e-03, v9;
	v11 =	vadd.f32 v1, v3;
	v1 =	vadd.f32 v5, v16  }
0x9d: {  	v3 =	vld [tilespmem:s15+$0x28D0];
	[tilespmem:s3+$0x50B0] =	vst v13;
	v5 =	vmax.f32 v10, v6;
	v6 =	vmul.f32 $9.999999770e-03, v12;
	v10 =	vadd.f32 v15, v2  }
0x9e: {  	v2 =	vld [tilespmem:s15+$0x28E0];
	[tilespmem:s3+$0x50C0] =	vst v5;
	v5 =	vmax.f32 v9, v7;
	v7 =	vmul.f32 $9.999999770e-03, v11;
	v8 =	vadd.f32 v8, v1  }
0x9f: {  	v1 =	vld [tilespmem:s15+$0x28F0];
	[tilespmem:s3+$0x50D0] =	vst v5;
	v5 =	vmax.f32 v12, v6;
	v6 =	vmul.f32 $9.999999770e-03, v10  }
0xa0: {  	v12 =	vld [tilespmem:s15+$0xA0];
	[tilespmem:s3+$0x50E0] =	vst v5;
	v5 =	vmax.f32 v11, v7;
	v7 =	vmul.f32 $9.999999770e-03, v8  }
0xa1: {  	v11 =	vld [tilespmem:s15+$0xB0];
	[tilespmem:s3+$0x50F0] =	vst v5;
	v5 =	vmax.f32 v10, v6  }
0xa2: {  	v10 =	vld [tilespmem:s15+$0xC0];
	[tilespmem:s3+$0x5100] =	vst v5;
	v5 =	vmax.f32 v8, v7  }
0xa3: {  	v9 =	vld [tilespmem:s15+$0xD0];
	[tilespmem:s3+$0x5110] =	vst v5;
	s3 =	smov.u32 s15  }
0xa4: {  	v8 =	vld [tilespmem:s3+$0xE0]  }
0xa5: {  	v6 =	vld [tilespmem:s3+$0xF0]  }
0xa6: {  	v13 =	vld [tilespmem:s3+$0x50A0]  }
0xa7: {  	v17 =	vld [tilespmem:s3+$0x50B0]  }
0xa8: {  	v7 =	vld [tilespmem:s3+$0x100]  }
0xa9: {  	v5 =	vld [tilespmem:s3+$0x110]  }
.Ltmp0:
0xaa: {  	v16 =	vld [tilespmem:s3+$0x50C0];
	(pc) =	sbr.rel @p2 .LBB2_3-.Ltmp0, $4  }
0xab: {  	v12 =	vadd.f32 v12, v13;
	v15 =	vld [tilespmem:s3+$0x50D0]  }
0xac: {  	v11 =	vadd.f32 v11, v17;
	v13 =	vld [tilespmem:s3+$0x50E0]  }
0xad: {  	v17 =	vadd.f32 v18, v12;
	v12 =	vld [tilespmem:s3+$0x50F0]  }
0xae: {  	s11 =	sadd.s32 $0x200, s11;
	v14 =	vadd.f32 v14, v11;
	v11 =	vld [tilespmem:s3+$0x5100]  }
0xaf: {  	v18 =	vmul.f32 $9.999999770e-03, v17;
	v10 =	vadd.f32 v10, v16;
	v16 =	vld [tilespmem:s3+$0x5110]  }
0xb0: {  	v19 =	vmul.f32 $9.999999770e-03, v14;
	v9 =	vadd.f32 v9, v15;
	v15 =	vld [tilespmem:s3+$0x2900]  }
0xb1: {  	v17 =	vmax.f32 v17, v18;
	v4 =	vadd.f32 v4, v10;
	v8 =	vadd.f32 v8, v13;
	v10 =	vld [tilespmem:s3+$0x2910]  }
0xb2: {  	v13 =	vmax.f32 v14, v19;
	v3 =	vadd.f32 v3, v9;
	v6 =	vadd.f32 v6, v12  }
0xb3: {  	v9 =	vmul.f32 $9.999999770e-03, v4;
	v2 =	vadd.f32 v2, v8;
	v7 =	vadd.f32 v7, v11  }
0xb4: {  	[tilespmem:s3+$0x50A0] =	vst v17;
	v8 =	vmul.f32 $9.999999770e-03, v3;
	v1 =	vadd.f32 v1, v6;
	v5 =	vadd.f32 v5, v16  }
0xb5: {  	[tilespmem:s3+$0x50B0] =	vst v13;
	v4 =	vmax.f32 v4, v9;
	v6 =	vmul.f32 $9.999999770e-03, v2;
	v7 =	vadd.f32 v15, v7  }
0xb6: {  	[tilespmem:s3+$0x50C0] =	vst v4;
	v3 =	vmax.f32 v3, v8;
	v4 =	vmul.f32 $9.999999770e-03, v1;
	v5 =	vadd.f32 v10, v5  }
0xb7: {  	[tilespmem:s3+$0x50D0] =	vst v3;
	v2 =	vmax.f32 v2, v6;
	v3 =	vmul.f32 $9.999999770e-03, v7  }
0xb8: {  	[tilespmem:s3+$0x50E0] =	vst v2;
	v1 =	vmax.f32 v1, v4;
	v2 =	vmul.f32 $9.999999770e-03, v5  }
0xb9: {  	s2 =	sadd.s32 s26, s2;
	[tilespmem:s3+$0x50F0] =	vst v1;
	v1 =	vmax.f32 v7, v3  }
0xba: {  	s2 =	sshll.u32 s2, $0x4;
	[tilespmem:s3+$0x5100] =	vst v1;
	v1 =	vmax.f32 v5, v2  }
0xbb: {  	s2 =	sadd.s32 s10, s2;
	[tilespmem:s3+$0x5110] =	vst v1;
	s3 =	simm.s32 $0x0  }
0xbc: {  	[hbm4b:s2+s3] =	stream.linear.scatter [tilespmem:s5], [sflag:$0x9], $0x1400, $0x38;
	[tilespmem:$0x1DAB0] =	vst v63  }
0xbd: {  	s15 =	rddreg [dreg:$0x3]  }
0xbe: {  	[spmem:s15] =	stream.indirect.scatter.add.f32 [tilespmem:s5], [sflag:$0xB], $0x80, s29, s30, $0xb8;
	[tilespmem:$0x1DAB0] =	vst v63  }
0xbf: {  	_ =	swait.ge [sflag:s28], $0x1400  }
0xc0: {  	[sflag:s28] =	ssyncset.done $0x0  }
0xc1: {  	s11 =	smin.u32 s1, $0xF7;
	[sflag:s28] =	ssyncadd.s32 $0xFFFFEC00  }
0xc2: {  	s2 =	smul.u32 $0x28, s11;
	s11 =	rddreg [dreg:$0x4]  }
0xc3: {  	[spmem:s11] =	stream.indirect.scatter.add.f32 [tilespmem:s22], [sflag:$0xB], $0x10, s29, s30, $0xb8;
	[tilespmem:$0x1DAB0] =	vst v63  }
0xc4: {  	_ =	swait.ge [sflag:s28], $0x280  }
0xc5: {  	s15 =	rddreg [dreg:$0xe]  }
0xc6: {  	s2 =	sadd.s32 s2, s15  }
0xc7: {  	[sflag:s28] =	ssyncset.done $0x0;
	s11 =	sshrl.u32 s2, $0x3  }
0xc8: {  	[sflag:s28] =	ssyncadd.s32 $0xFFFFFD80;
	s15 =	sadd.s32 s8, s11  }
0xc9: {  	[tilespmem:s3], [sflag:$0x1] =	stream.linear.gather [hbm4b:s15+s3], $0x28, $0x38;
	[tilespmem:$0x1DAB0] =	vst v63  }
0xca: {  	s11 =	sadd.s32 s9, s11  }
0xcb: {  	[tilespmem:s29], [sflag:$0x1] =	stream.linear.gather [hbm4b:s11+s3], $0x28, $0x38;
	[tilespmem:$0x1DAB0] =	vst v63  }
0xcc: {  	_ =	swait.ge [sflag:s23], $0x28  }
0xcd: {  	[sflag:s23] =	ssyncset.done $0x0  }
0xce: {  	[sflag:s23] =	ssyncadd.s32 $0xFFFFFFD8  }
0xcf: {  	_ =	swait.ge [sflag:s23], $0x28  }
0xd0: {  	[sflag:s23] =	ssyncset.done $0x0  }
0xd1: {  	[sflag:s23] =	ssyncadd.s32 $0xFFFFFFD8  }
0xd2: {  	_ =	swait.ge [sflag:s24], $0x1400  }
0xd3: {  	[sflag:s24] =	ssyncset.done $0x0  }
0xd4: {  	s2 =	sshll.u32 s2, $0x4;
	s15 =	simm.s32 $0xA0;
	[sflag:s24] =	ssyncadd.s32 $0xFFFFEC00  }
0xd5: {  	[tilespmem:s15], [sflag:$0x3] =	stream.indirect.gather [hbm4b:s6+s30], $0x80, s3, s30, $0xb8;
	[tilespmem:$0x1DAB0] =	vst v63  }
0xd6: {  	s2 =	sand.u32 $0x1FFFF80, s2;
	s11 =	simm.s32 $0x28A0  }
0xd7: {  	[tilespmem:s11], [sflag:$0x5] =	stream.indirect.gather [hbm4b:s20+s30], $0x80, s29, s30, $0xb8;
	[tilespmem:$0x1DAB0] =	vst v63  }
0xd8: {  	s2 =	sadd.s32 s7, s2  }
0xd9: {  	[tilespmem:s5], [sflag:$0x7] =	stream.linear.gather [hbm4b:s2+s3], $0x1400, $0x38;
	[tilespmem:$0x1DAB0] =	vst v63  }
0xda: {  	_ =	swait.ge [sflag:s25], $0x1400  }
0xdb: {  	[sflag:s25] =	ssyncset.done $0x0  }
0xdc: {  	[sflag:s25] =	ssyncadd.s32 $0xFFFFEC00  }
0xdd: {  	_ =	swait.ge [sflag:s14], $0x1400  }
0xde: {  	[sflag:s14] =	ssyncset.done $0x0  }
0xdf: {  	[sflag:s14] =	ssyncadd.s32 $0xFFFFEC00  }
0xe0: {  	_ =	swait.ge [sflag:s16], $0x1400  }
0xe1: {  	[sflag:s16] =	ssyncset.done $0x0  }
0xe2: {  	s2 =	simm.s32 $0x0;
	[sflag:s16] =	ssyncadd.s32 $0xFFFFEC00  }
0xe3: {  	v11 =	vld [tilespmem:s2+$0x3CA0]  }
0xe4: {  	v14 =	vld [tilespmem:s2+$0x3CB0]  }
0xe5: {  	v4 =	vld [tilespmem:s2+$0x3CC0]  }
0xe6: {  	v3 =	vld [tilespmem:s2+$0x3CD0]  }
0xe7: {  	v2 =	vld [tilespmem:s2+$0x3CE0]  }
0xe8: {  	v1 =	vld [tilespmem:s2+$0x3CF0]  }
0xe9: {  	v12 =	vld [tilespmem:s2+$0x14A0]  }
0xea: {  	v13 =	vld [tilespmem:s2+$0x14B0]  }
0xeb: {  	v10 =	vld [tilespmem:s2+$0x14C0]  }
0xec: {  	v9 =	vld [tilespmem:s2+$0x14D0]  }
0xed: {  	v8 =	vld [tilespmem:s2+$0x14E0]  }
0xee: {  	v6 =	vld [tilespmem:s2+$0x14F0]  }
0xef: {  	v17 =	vld [tilespmem:s2+$0x64A0]  }
0xf0: {  	v18 =	vld [tilespmem:s2+$0x64B0]  }
0xf1: {  	v7 =	vld [tilespmem:s2+$0x1500]  }
0xf2: {  	v5 =	vld [tilespmem:s2+$0x1510]  }
0xf3: {  	v16 =	vld [tilespmem:s2+$0x64C0]  }
0xf4: {  	v15 =	vld [tilespmem:s2+$0x64D0];
	v17 =	vadd.f32 v12, v17  }
0xf5: {  	v18 =	vadd.f32 v13, v18;
	v13 =	vld [tilespmem:s2+$0x64E0]  }
0xf6: {  	v12 =	vld [tilespmem:s2+$0x64F0];
	v17 =	vadd.f32 v11, v17  }
0xf7: {  	s15 =	smov.u32 s20;
	s3 =	simm.s32 $0x200;
	v14 =	vadd.f32 v14, v18;
	v11 =	vld [tilespmem:s2+$0x6500]  }
.LBB2_5:
0xf8: {  	p2 =	sne.s32 s3, $0x4E00;
	v18 =	vmul.f32 $9.999999770e-03, v17;
	v10 =	vadd.f32 v10, v16;
	v16 =	vld [tilespmem:s2+$0x6510]  }
0xf9: {  	v19 =	vmul.f32 $9.999999770e-03, v14;
	v9 =	vadd.f32 v9, v15;
	v15 =	vld [tilespmem:s2+$0x3D00]  }
0xfa: {  	s11 =	sshra.s32 s3, $0x2;
	v17 =	vmax.f32 v17, v18;
	v10 =	vadd.f32 v4, v10;
	v4 =	vadd.f32 v8, v13;
	v8 =	vld [tilespmem:s2+$0x3D10]  }
0xfb: {  	v18 =	vld [tilespmem:s11+$0x3CA0];
	v13 =	vmax.f32 v14, v19;
	v9 =	vadd.f32 v3, v9;
	v3 =	vadd.f32 v6, v12  }
0xfc: {  	v14 =	vld [tilespmem:s11+$0x3CB0];
	v6 =	vmul.f32 $9.999999770e-03, v10;
	v12 =	vadd.f32 v2, v4;
	v2 =	vadd.f32 v7, v11  }
0xfd: {  	v4 =	vld [tilespmem:s11+$0x3CC0];
	[tilespmem:s2+$0x64A0] =	vst v17;
	v7 =	vmul.f32 $9.999999770e-03, v9;
	v11 =	vadd.f32 v1, v3;
	v1 =	vadd.f32 v5, v16  }
0xfe: {  	v3 =	vld [tilespmem:s11+$0x3CD0];
	[tilespmem:s2+$0x64B0] =	vst v13;
	v5 =	vmax.f32 v10, v6;
	v6 =	vmul.f32 $9.999999770e-03, v12;
	v10 =	vadd.f32 v15, v2  }
0xff: {  	v2 =	vld [tilespmem:s11+$0x3CE0];
	[tilespmem:s2+$0x64C0] =	vst v5;
	v5 =	vmax.f32 v9, v7;
	v7 =	vmul.f32 $9.999999770e-03, v11;
	v8 =	vadd.f32 v8, v1  }
0x100: {  	v1 =	vld [tilespmem:s11+$0x3CF0];
	[tilespmem:s2+$0x64D0] =	vst v5;
	v5 =	vmax.f32 v12, v6;
	v6 =	vmul.f32 $9.999999770e-03, v10  }
0x101: {  	v12 =	vld [tilespmem:s11+$0x14A0];
	[tilespmem:s2+$0x64E0] =	vst v5;
	v5 =	vmax.f32 v11, v7;
	v7 =	vmul.f32 $9.999999770e-03, v8  }
0x102: {  	v11 =	vld [tilespmem:s11+$0x14B0];
	[tilespmem:s2+$0x64F0] =	vst v5;
	v5 =	vmax.f32 v10, v6  }
0x103: {  	v10 =	vld [tilespmem:s11+$0x14C0];
	[tilespmem:s2+$0x6500] =	vst v5;
	v5 =	vmax.f32 v8, v7  }
0x104: {  	v9 =	vld [tilespmem:s11+$0x14D0];
	[tilespmem:s2+$0x6510] =	vst v5;
	s2 =	smov.u32 s11  }
0x105: {  	v8 =	vld [tilespmem:s2+$0x14E0]  }
0x106: {  	v6 =	vld [tilespmem:s2+$0x14F0]  }
0x107: {  	v13 =	vld [tilespmem:s2+$0x64A0]  }
0x108: {  	v17 =	vld [tilespmem:s2+$0x64B0]  }
0x109: {  	v7 =	vld [tilespmem:s2+$0x1500]  }
0x10a: {  	v5 =	vld [tilespmem:s2+$0x1510]  }
.Ltmp1:
0x10b: {  	v16 =	vld [tilespmem:s2+$0x64C0];
	(pc) =	sbr.rel @p2 .LBB2_5-.Ltmp1, $4  }
0x10c: {  	v12 =	vadd.f32 v12, v13;
	v15 =	vld [tilespmem:s2+$0x64D0]  }
0x10d: {  	v11 =	vadd.f32 v11, v17;
	v13 =	vld [tilespmem:s2+$0x64E0]  }
0x10e: {  	v17 =	vadd.f32 v18, v12;
	v12 =	vld [tilespmem:s2+$0x64F0]  }
0x10f: {  	s3 =	sadd.s32 $0x200, s3;
	v14 =	vadd.f32 v14, v11;
	v11 =	vld [tilespmem:s2+$0x6500]  }
0x110: {  	v18 =	vmul.f32 $9.999999770e-03, v17;
	v10 =	vadd.f32 v10, v16;
	v56 =	vld [tilespmem:s2+$0x6510]  }
0x111: {  	v57 =	vld [tilespmem:s2+$0x3D00];
	v19 =	vmul.f32 $9.999999770e-03, v14;
	v9 =	vadd.f32 v9, v15  }
0x112: {  	v58 =	vld [tilespmem:s2+$0x3D10];
	v17 =	vmax.f32 v17, v18;
	v4 =	vadd.f32 v4, v10;
	v8 =	vadd.f32 v8, v13  }
0x113: {  	v59 =	vmax.f32 v14, v19;
	v3 =	vadd.f32 v3, v9;
	v6 =	vadd.f32 v6, v12  }
0x114: {  	v60 =	vmul.f32 $9.999999770e-03, v4;
	v2 =	vadd.f32 v2, v8;
	v7 =	vadd.f32 v7, v11  }
0x115: {  	[tilespmem:s2+$0x64A0] =	vst v17;
	v61 =	vmul.f32 $9.999999770e-03, v3;
	v1 =	vadd.f32 v1, v6;
	v5 =	vadd.f32 v5, v56  }
0x116: {  	[tilespmem:s2+$0x64B0] =	vst v59;
	v4 =	vmax.f32 v4, v60;
	v62 =	vmul.f32 $9.999999770e-03, v2;
	v7 =	vadd.f32 v57, v7  }
0x117: {  	[tilespmem:s2+$0x64C0] =	vst v4;
	v3 =	vmax.f32 v3, v61;
	v63 =	vmul.f32 $9.999999770e-03, v1;
	v5 =	vadd.f32 v58, v5  }
0x118: {  	[tilespmem:s2+$0x64D0] =	vst v3;
	v2 =	vmax.f32 v2, v62;
	v3 =	vmul.f32 $9.999999770e-03, v7  }
0x119: {  	[tilespmem:s2+$0x64E0] =	vst v2;
	v1 =	vmax.f32 v1, v63;
	v2 =	vmul.f32 $9.999999770e-03, v5  }
0x11a: {  	[tilespmem:s2+$0x64F0] =	vst v1;
	v1 =	vmax.f32 v7, v3  }
0x11b: {  	[tilespmem:s2+$0x6500] =	vst v1;
	v1 =	vmax.f32 v5, v2  }
0x11c: {  	s0 =	sadd.s32 s10, s0;
	[tilespmem:s2+$0x6510] =	vst v1  }
0x11d: {  	[hbm4b:s0+s4] =	stream.linear.scatter [tilespmem:s17], [sflag:$0xA], $0x1400, $0x38;
	[tilespmem:$0x1DAB0] =	vst v63  }
0x11e: {  	s20 =	rddreg [dreg:$0x3]  }
0x11f: {  	[spmem:s20] =	stream.indirect.scatter.add.f32 [tilespmem:s17], [sflag:$0xB], $0x80, s12, s30, $0xb8;
	[tilespmem:$0x1DAB0] =	vst v63  }
0x120: {  	_ =	swait.ge [sflag:s28], $0x1400  }
0x121: {  	[sflag:s28] =	ssyncset.done $0x0  }
0x122: {  	[sflag:s28] =	ssyncadd.s32 $0xFFFFEC00  }
0x123: {  	s2 =	smin.u32 s1, $0xF6;
	s3 =	rddreg [dreg:$0x4]  }
0x124: {  	[spmem:s3] =	stream.indirect.scatter.add.f32 [tilespmem:s22], [sflag:$0xB], $0x10, s12, s30, $0xb8;
	[tilespmem:$0x1DAB0] =	vst v63  }
0x125: {  	s0 =	smul.u32 $0x28, s2;
	_ =	swait.ge [sflag:s28], $0x280  }
0x126: {  	s31 =	sadd.s32 $0x1, s31;
	s11 =	rddreg [dreg:$0x14]  }
0x127: {  	p2 =	sne.s32 s31, $0x7D;
	s0 =	sadd.s32 s0, s11  }
.Ltmp2:
0x128: {  	[sflag:s28] =	ssyncset.done $0x0;
	s0 =	sshrl.u32 s0, $0x3;
	(pc) =	sbr.rel @p2 .LBB2_2-.Ltmp2, $4  }
0x129: {  	[sflag:s28] =	ssyncadd.s32 $0xFFFFFD80;
	s20 =	sadd.s32 s8, s0  }
0x12a: {  	[tilespmem:s30], [sflag:$0x2] =	stream.linear.gather [hbm4b:s20+s4], $0x28, $0x38;
	[tilespmem:$0x1DAB0] =	vst v63  }
0x12b: {  	s0 =	sadd.s32 s9, s0  }
0x12c: {  	[tilespmem:s12], [sflag:$0x2] =	stream.linear.gather [hbm4b:s0+s4], $0x28, $0x38;
	[tilespmem:$0x1DAB0] =	vst v63  }
0x12d: {  	_ =	swait.ge [sflag:s13], $0x28  }
0x12e: {  	[sflag:s13] =	ssyncset.done $0x0  }
0x12f: {  	[sflag:s13] =	ssyncadd.s32 $0xFFFFFFD8  }
0x130: {  	_ =	swait.ge [sflag:s13], $0x28  }
0x131: {  	[sflag:s13] =	ssyncset.done $0x0  }
0x132: {  	[sflag:s13] =	ssyncadd.s32 $0xFFFFFFD8  }
0x133: {  	_ =	swait.ge [sflag:s18], $0x1400  }
0x134: {  	[sflag:s18] =	ssyncset.done $0x0  }
0x135: {  	[sflag:s18] =	ssyncadd.s32 $0xFFFFEC00  }
0x136: {  	_ =	swait.ge [sflag:s19], $0x1400  }
0x137: {  	[sflag:s19] =	ssyncset.done $0x0  }
0x138: {  	[sflag:s19] =	ssyncadd.s32 $0xFFFFEC00  }
0x139: {  	_ =	swait.ge [sflag:s21], $0x1400  }
0x13a: {  	[sflag:s21] =	ssyncset.done $0x0  }
0x13b: {  	s0 =	simm.s32 $0xA;
	[sflag:s21] =	ssyncadd.s32 $0xFFFFEC00  }
0x13c: {  	_ =	swait.ge [sflag:s0], $0x1400  }
0x13d: {  	[sflag:s0] =	ssyncset.done $0x0  }
0x13e: {  	[sflag:s0] =	ssyncadd.s32 $0xFFFFEC00  }
0x13f: {  	[bflag:$0x0] =	sbarrier.arrive $0xFFFF  }
0x140: {  	s0 =	rddreg [dreg:$0x3]  }
0x141: {  	s1 =	simm.s32 @!p0 $0x1C0B;
	s2 =	rddreg [dreg:$0xf];
	s0 =	sshrl.u32 @!p0 s0, $0x3  }
0x142: {  	[hbm:s2], [sflag:s1] =	dma.local @!p0 [spmem:s0], $0x27100  }
0x143: {  	s0 =	simm.s32 @!p0 $0xB  }
0x144: {  	_ =	swait.ge @!p0 [sflag:s0], $0x27100  }
0x145: {  	[sflag:s0] =	ssyncset.done @!p0 $0x0  }
0x146: {  	[sflag:s0] =	ssyncadd.s32 @!p0 $0xFFFD8F00  }
0x147: {  	s2 =	rddreg [dreg:$0x4]  }
0x148: {  	s3 =	rddreg [dreg:$0x10];
	s2 =	sshrl.u32 @!p0 s2, $0x3  }
0x149: {  	[hbm:s3], [sflag:s1] =	dma.local @!p0 [spmem:s2], $0x4E20  }
0x14a: {  	_ =	swait.ge @!p0 [sflag:s0], $0x4E20  }
0x14b: {  	s20 =	rddreg [dreg:$0x15]  }
0x14c: {  	s31 =	rddreg [dreg:$0x11];
	s2 =	sadd.s32 $0x1, s20  }
0x14d: {  	p2 =	sne.s32 s2, s31  }
.Ltmp3:
0x14e: {  	_ = 	snop;
	(pc) =	sbr.rel @p2 .LBB2_1-.Ltmp3, $3  }
0x14f: {  	_ =	sdelay $0x1  }
0x150: {  	[sflag:s0] =	ssyncset.done @!p0 $0x0  }
0x151: {  	[sflag:s0] =	ssyncadd.s32 @!p0 $0xFFFFB1E0  }
0x152: {  	_ =	sfence.sel $0x180000  }
0x153: {  	[bflag:$0x0] =	sbarrier.arrive $0xFFFF  }
0x154: {  	_ =	strace $0x90000047  }
0x155: {  	[bflag:$0x2] =	sbarrier.arrive $0xFFFF  }
0x156: {  	s0 =	rddreg [dreg:$0x5]  }
0x157: {  	s0 =	sadd.s32 @!p0 $0x100000, s0  }
0x158: {  	[sflag:s0] =	ssyncadd.tile.s32 @!p0 $0x1;
	_ =	shalt  }
.Lfunc_end2:
_tile_overlayer_lowered:
.L_overlay_start_2:
0x159: {  	(tag) =	ssettag $0x2  }
0x15a: {  	s0 =	rddreg [dreg:$0x0];
	s2 =	stileid.u32  }
0x15b: {  	s1 =	rddreg [dreg:$0x1];
	p0 =	sne.s32 s2, $0x0  }
0x15c: {  	s3 =	rddreg [dreg:$0x2];
	[bflag:$0x3] =	sbarrier.arrive $0xFFFF;
	s2 =	simm.s32 @!p0 $0x1C0B  }
0x15d: {  	[timem:s3], [sflag:s2] =	dma.local @!p0 [hbm:s0], s1  }
0x15e: {  	s0 =	simm.s32 @!p0 $0xB  }
0x15f: {  	_ =	swait.ge @!p0 [sflag:s0], s1  }
0x160: {  	s1 =	ssub.s32 @!p0 $0x0, s1;
	[sflag:s0] =	ssyncset.done @!p0 $0x0  }
0x161: {  	[sflag:s0] =	ssyncadd.s32 @!p0 s1  }
0x162: {  	[bflag:$0x3] =	sbarrier.arrive $0xFFFF  }
0x163: {  	_ =	shalt  }

</sc_bundles>
